<compile_context>
chip_gen: v7x
topology: tpu7x:2x2x1
jax: 0.10.2.dev20260603
libtpu: 0.0.44.dev20260713+nightly
codegen_flags: <defaults>
</compile_context>

<pallas_src>
import functools

import jax
import jax.numpy as jnp
from jax import lax
from jax.experimental import pallas as pl
from jax.experimental.pallas import tpu as pltpu
from jax.experimental.pallas import tpu_sc as plsc

_NC = 2
_NS = 16
_NW = _NC * _NS
_CHUNK = 128
_GRP = 1


def _sc_mesh():
    return plsc.VectorSubcoreMesh(core_axis_name="c", subcore_axis_name="s")


def _deg_partials(dst, ones8, zeros8, M, n_chunks):
    rpt = M // _NS

    def body(dst_hbm, ones_hbm, zeros_hbm, out_hbm, ones_v, zbuf_v, dst_v, acc_sh):
        c = lax.axis_index("c")
        s = lax.axis_index("s")
        wid = c * _NS + s
        pltpu.sync_copy(zeros_hbm, zbuf_v)
        for k in range(rpt // _CHUNK):
            pltpu.sync_copy(zbuf_v, acc_sh.at[pl.ds(s * rpt + k * _CHUNK, _CHUNK)])
        pltpu.sync_copy(dst_hbm.at[wid], dst_v)
        pltpu.sync_copy(ones_hbm, ones_v)
        plsc.subcore_barrier()

        def step(i, carry):
            pltpu.sync_copy(ones_v, acc_sh.at[dst_v.at[i]], add=True)
            return carry

        lax.fori_loop(0, n_chunks, step, 0)
        plsc.subcore_barrier()
        pltpu.sync_copy(acc_sh.at[pl.ds(s * rpt, rpt)],
                        out_hbm.at[c, pl.ds(s * rpt, rpt)])

    fn = pl.kernel(
        body,
        out_type=jax.ShapeDtypeStruct((_NC, M, 8), jnp.float32),
        mesh=_sc_mesh(),
        scratch_types=[
            pltpu.VMEM((_GRP * _CHUNK, 8), jnp.float32),
            pltpu.VMEM((_CHUNK, 8), jnp.float32),
            pltpu.VMEM((n_chunks, _GRP * _CHUNK), jnp.int32),
            pltpu.VMEM_SHARED((M, 8), jnp.float32),
        ],
    )
    return fn(dst, ones8, zeros8)


def _agg_partials(g, src, dst, zeros_h, M, n_chunks, H):
    rpt = M // _NS

    def body(g_hbm, src_hbm, dst_hbm, zeros_hbm, out_hbm,
             src_v, dst_v, rows_v, zbuf_v, g_sh, acc_sh, semg):
        c = lax.axis_index("c")
        s = lax.axis_index("s")
        wid = c * _NS + s
        pltpu.sync_copy(zeros_hbm, zbuf_v)
        for k in range(rpt // _CHUNK):
            pltpu.sync_copy(zbuf_v, acc_sh.at[pl.ds(s * rpt + k * _CHUNK, _CHUNK)])
        pltpu.sync_copy(g_hbm.at[pl.ds(s * rpt, rpt)], g_sh.at[pl.ds(s * rpt, rpt)])
        pltpu.sync_copy(src_hbm.at[wid], src_v)
        pltpu.sync_copy(dst_hbm.at[wid], dst_v)
        plsc.subcore_barrier()

        def step(j, carry):
            pltpu.async_copy(g_sh.at[src_v.at[j]], rows_v, semg).wait()
            pltpu.sync_copy(rows_v, acc_sh.at[dst_v.at[j]], add=True)
            return carry

        lax.fori_loop(0, n_chunks, step, 0)
        plsc.subcore_barrier()
        pltpu.sync_copy(acc_sh.at[pl.ds(s * rpt, rpt)],
                        out_hbm.at[c, pl.ds(s * rpt, rpt)])

    fn = pl.kernel(
        body,
        out_type=jax.ShapeDtypeStruct((_NC, M, H), jnp.float32),
        mesh=_sc_mesh(),
        scratch_types=[
            pltpu.VMEM((n_chunks, _CHUNK), jnp.int32),
            pltpu.VMEM((n_chunks, _CHUNK), jnp.int32),
            pltpu.VMEM((_CHUNK, H), jnp.float32),
            pltpu.VMEM((_CHUNK, H), jnp.float32),
            pltpu.VMEM_SHARED((M, H), jnp.float32),
            pltpu.VMEM_SHARED((M, H), jnp.float32),
            pltpu.SemaphoreType.DMA,
        ],
        compiler_params=pltpu.CompilerParams(use_tc_tiling_on_sc=False),
    )
    return fn(g, src, dst, zeros_h)


def _dinv(dp_ref):
    return lax.rsqrt(dp_ref[0, :, 0:1] + dp_ref[1, :, 0:1] + 1.0)


def _tc_first(xp, W1, degp, R):
    M, F = xp.shape
    H = W1.shape[1]

    def body(x_ref, w_ref, dp_ref, g_ref):
        h = jnp.dot(x_ref[...], w_ref[...], preferred_element_type=jnp.float32)
        g_ref[...] = _dinv(dp_ref) * h

    return pl.pallas_call(
        body,
        grid=(M // R,),
        in_specs=[
            pl.BlockSpec((R, F), lambda i: (i, 0)),
            pl.BlockSpec((F, H), lambda i: (0, 0)),
            pl.BlockSpec((2, R, 8), lambda i: (0, i, 0)),
        ],
        out_specs=pl.BlockSpec((R, H), lambda i: (i, 0)),
        out_shape=jax.ShapeDtypeStruct((M, H), jnp.float32),
    )(xp, W1, degp)


def _tc_mid(acc, g, degp, b, W, R):
    M, H = g.shape
    H2 = W.shape[1]

    def body(a_ref, g_ref, dp_ref, b_ref, w_ref, o_ref):
        d = _dinv(dp_ref)
        t = jnp.maximum(d * (a_ref[0] + a_ref[1] + g_ref[...]) + b_ref[...], 0.0)
        o_ref[...] = d * jnp.dot(t, w_ref[...], preferred_element_type=jnp.float32)

    return pl.pallas_call(
        body,
        grid=(M // R,),
        in_specs=[
            pl.BlockSpec((2, R, H), lambda i: (0, i, 0)),
            pl.BlockSpec((R, H), lambda i: (i, 0)),
            pl.BlockSpec((2, R, 8), lambda i: (0, i, 0)),
            pl.BlockSpec((1, H), lambda i: (0, 0)),
            pl.BlockSpec((H, H2), lambda i: (0, 0)),
        ],
        out_specs=pl.BlockSpec((R, H2), lambda i: (i, 0)),
        out_shape=jax.ShapeDtypeStruct((M, H2), jnp.float32),
    )(acc, g, degp, b, W)


def _tc_head(acc, g, degp, b, Wh, bh, R):
    M, H = g.shape
    A = Wh.shape[1]

    def body(a_ref, g_ref, dp_ref, b_ref, w_ref, bh_ref, o_ref):
        d = _dinv(dp_ref)
        t = jnp.maximum(d * (a_ref[0] + a_ref[1] + g_ref[...]) + b_ref[...], 0.0)
        o_ref[...] = jnp.dot(t, w_ref[...], preferred_element_type=jnp.float32) + bh_ref[...]

    return pl.pallas_call(
        body,
        grid=(M // R,),
        in_specs=[
            pl.BlockSpec((2, R, H), lambda i: (0, i, 0)),
            pl.BlockSpec((R, H), lambda i: (i, 0)),
            pl.BlockSpec((2, R, 8), lambda i: (0, i, 0)),
            pl.BlockSpec((1, H), lambda i: (0, 0)),
            pl.BlockSpec((H, A), lambda i: (0, 0)),
            pl.BlockSpec((1, A), lambda i: (0, 0)),
        ],
        out_specs=pl.BlockSpec((R, A), lambda i: (i, 0)),
        out_shape=jax.ShapeDtypeStruct((M, A), jnp.float32),
    )(acc, g, degp, b, Wh, bh)


def kernel(x, edge_index, W1, b1, W2, b2, Wh, bh):
    N, F = x.shape
    H = W1.shape[1]
    A = Wh.shape[1]
    E = edge_index.shape[1]

    grain = _NS * _CHUNK
    M = -((N + 1) // -grain) * grain
    step_e = _GRP * _CHUNK
    n_chunks = -(E // -(_NW * step_e))

    e_pad = _NW * step_e * n_chunks - E

    src = jnp.concatenate(
        [edge_index[0], jnp.zeros((e_pad,), jnp.int32)]).reshape(_NW, n_chunks, step_e)
    dst = jnp.concatenate(
        [edge_index[1], jnp.full((e_pad,), N, jnp.int32)]).reshape(_NW, n_chunks, step_e)
    xp = jnp.pad(x, ((0, M - N), (0, 0)))

    ones8 = jnp.ones((step_e, 8), jnp.float32)
    zeros8 = jnp.zeros((_CHUNK, 8), jnp.float32)
    zerosH = jnp.zeros((_CHUNK, H), jnp.float32)

    R = M // 8

    degp = _deg_partials(dst, ones8, zeros8, M, n_chunks)
    g1 = _tc_first(xp, W1, degp, R)
    acc1 = _agg_partials(g1, src, dst, zerosH, M, n_chunks, H)
    g2 = _tc_mid(acc1, g1, degp, b1.reshape(1, H), W2, R)
    acc2 = _agg_partials(g2, src, dst, zerosH, M, n_chunks, H)
    out = _tc_head(acc2, g2, degp, b2.reshape(1, H), Wh, bh.reshape(1, A), R)
    return out[:N]

# --- scband reference (transcript-rebuilt; emitter-appended) ---
"""Pipeline reference for scband-traffic-gnn-841813590533 (READ-ONLY COPY).

The authoritative reference and input builder live on the scoring server;
editing this copy changes nothing except your own understanding.
"""

import jax, jax.numpy as jnp
import numpy as np

N = 10000
E = 320000
F_IN = 128
HID = 64
A = 8


def setup_inputs(seed: int = 0):
    key = jax.random.key(seed)
    ks = jax.random.split(key, 8)
    x = jax.random.normal(ks[0], (N, F_IN), dtype=jnp.float32)
    edge_index = jax.random.randint(ks[1], (2, E), 0, N, dtype=jnp.int32)
    W1 = jax.random.normal(ks[2], (F_IN, HID), dtype=jnp.float32) * (1.0 / np.sqrt(F_IN))
    b1 = jnp.zeros((HID,), dtype=jnp.float32)
    W2 = jax.random.normal(ks[3], (HID, HID), dtype=jnp.float32) * (1.0 / np.sqrt(HID))
    b2 = jnp.zeros((HID,), dtype=jnp.float32)
    Wh = jax.random.normal(ks[4], (HID, A), dtype=jnp.float32) * (1.0 / np.sqrt(HID))
    bh = jnp.zeros((A,), dtype=jnp.float32)
    return {"x": x, "edge_index": edge_index, "W1": W1, "b1": b1, "W2": W2, "b2": b2, "Wh": Wh, "bh": bh}


def _gcn_conv(x, src, dst, W, b):
    # PyG GCNConv semantics: self-loops added, symmetric normalization D^-1/2 A_hat D^-1/2.
    n = x.shape[0]
    deg = jnp.zeros((n,), dtype=jnp.float32).at[dst].add(1.0)
    deg_inv_sqrt = jax.lax.rsqrt(deg)  # deg >= 1 because of self-loops
    norm = deg_inv_sqrt[src] * deg_inv_sqrt[dst]
    h = x @ W
    msg = h[src] * norm[:, None]
    out = jnp.zeros((n, W.shape[1]), dtype=jnp.float32).at[dst].add(msg)
    return out + b


def reference(x, edge_index, W1, b1, W2, b2, Wh, bh):
    n = x.shape[0]
    loop = jnp.arange(n, dtype=edge_index.dtype)
    src = jnp.concatenate([edge_index[0], loop])
    dst = jnp.concatenate([edge_index[1], loop])
    h = jax.nn.relu(_gcn_conv(x, src, dst, W1, b1))
    h = jax.nn.relu(_gcn_conv(h, src, dst, W2, b2))
    return h @ Wh + bh

if __name__ == "__main__":
    import jax
    _d = setup_inputs()
    print(jax.jit(kernel)(*tuple(_d.values())))

</pallas_src>

<mosaic_0001>
#map = affine_map<(d0, d1) -> (0, 0, 0)>
#map1 = affine_map<(d0, d1) -> (0, 0)>
module attributes {stable_mosaic.version = 14 : i64} {
  func.func @body(%arg0: i32, %arg1: i32, %arg2: memref<32x79x128xi32, #tpu.memory_space<hbm>>, %arg3: memref<128x8xf32, #tpu.memory_space<hbm>>, %arg4: memref<128x8xf32, #tpu.memory_space<hbm>>, %arg5: memref<2x10240x8xf32, #tpu.memory_space<hbm>>, %arg6: memref<128x8xf32, #tpu.memory_space<vmem>>, %arg7: memref<128x8xf32, #tpu.memory_space<vmem>>, %arg8: memref<79x128xi32, #tpu.memory_space<vmem>>, %arg9: memref<10240x8xf32, #tpu.memory_space<vmem_shared>>) attributes {dimension_semantics = [#tpu.dimension_semantics<core_parallel>, #tpu.dimension_semantics<subcore_parallel>], iteration_bounds = array<i64: 2, 16>, scalar_prefetch = 0 : i64, scratch_operands = 4 : i64, tpu.core_type = #tpu.core_type<sc_vector_subcore>, window_params = [{transform_indices = #map}, {transform_indices = #map1}, {transform_indices = #map1}, {transform_indices = #map}]} {
    %mul3A = arith.constant 16 : i32
    %mul3A_0 = arith.muli %arg0, %mul3A : i32
    %add3A = arith.addi %mul3A_0, %arg1 : i32
    "tpu.region"() ({
      %run_scoped3A = tpu.sem_alloc : memref<!tpu.dma_semaphore, #tpu.memory_space<semaphore_mem>>
      tpu.enqueue_dma source(%arg4 : memref<128x8xf32, #tpu.memory_space<hbm>>) target(%arg7 : memref<128x8xf32, #tpu.memory_space<vmem>>) target_semaphore(%run_scoped3A : memref<!tpu.dma_semaphore, #tpu.memory_space<semaphore_mem>>)
      tpu.wait_dma2 semaphore(%run_scoped3A : memref<!tpu.dma_semaphore, #tpu.memory_space<semaphore_mem>>) src(%arg4 : memref<128x8xf32, #tpu.memory_space<hbm>>) dst(%arg7 : memref<128x8xf32, #tpu.memory_space<vmem>>)
      tpu.yield
    }) : () -> ()
    %mul3A_1 = arith.constant 640 : i32
    %mul3A_2 = arith.muli %arg1, %mul3A_1 : i32
    %add3A_3 = arith.constant 0 : i32
    %add3A_4 = arith.addi %mul3A_2, %add3A_3 : i32
    "tpu.region"() ({
      %run_scoped3A = tpu.sem_alloc : memref<!tpu.dma_semaphore, #tpu.memory_space<semaphore_mem>>
      %dma_start3A = arith.constant 0 : i32
      %dma_start3A_31 = tpu.memref_slice %arg9[%add3A_4, %dma_start3A] : memref<10240x8xf32, #tpu.memory_space<vmem_shared>> -> memref<128x8xf32, #tpu.memory_space<vmem_shared>>
      %dma_start3A_32 = arith.constant 0 : i32
      %dma_start3A_33 = tpu.memref_slice %arg9[%add3A_4, %dma_start3A_32] : memref<10240x8xf32, #tpu.memory_space<vmem_shared>> -> memref<128x8xf32, #tpu.memory_space<vmem_shared>>
      tpu.enqueue_dma source(%arg7 : memref<128x8xf32, #tpu.memory_space<vmem>>) target(%dma_start3A_33 : memref<128x8xf32, #tpu.memory_space<vmem_shared>>) target_semaphore(%run_scoped3A : memref<!tpu.dma_semaphore, #tpu.memory_space<semaphore_mem>>)
      %dma_wait3A = arith.constant 0 : i32
      %dma_wait3A_34 = tpu.memref_slice %arg9[%add3A_4, %dma_wait3A] : memref<10240x8xf32, #tpu.memory_space<vmem_shared>> -> memref<128x8xf32, #tpu.memory_space<vmem_shared>>
      %dma_wait3A_35 = arith.constant 0 : i32
      %dma_wait3A_36 = tpu.memref_slice %arg9[%add3A_4, %dma_wait3A_35] : memref<10240x8xf32, #tpu.memory_space<vmem_shared>> -> memref<128x8xf32, #tpu.memory_space<vmem_shared>>
      tpu.wait_dma2 semaphore(%run_scoped3A : memref<!tpu.dma_semaphore, #tpu.memory_space<semaphore_mem>>) src(%arg7 : memref<128x8xf32, #tpu.memory_space<vmem>>) dst(%dma_wait3A_36 : memref<128x8xf32, #tpu.memory_space<vmem_shared>>)
      tpu.yield
    }) : () -> ()
    %mul3A_5 = arith.constant 640 : i32
    %mul3A_6 = arith.muli %arg1, %mul3A_5 : i32
    %add3A_7 = arith.constant 128 : i32
    %add3A_8 = arith.addi %mul3A_6, %add3A_7 : i32
    "tpu.region"() ({
      %run_scoped3A = tpu.sem_alloc : memref<!tpu.dma_semaphore, #tpu.memory_space<semaphore_mem>>
      %dma_start3A = arith.constant 0 : i32
      %dma_start3A_31 = tpu.memref_slice %arg9[%add3A_8, %dma_start3A] : memref<10240x8xf32, #tpu.memory_space<vmem_shared>> -> memref<128x8xf32, #tpu.memory_space<vmem_shared>>
      %dma_start3A_32 = arith.constant 0 : i32
      %dma_start3A_33 = tpu.memref_slice %arg9[%add3A_8, %dma_start3A_32] : memref<10240x8xf32, #tpu.memory_space<vmem_shared>> -> memref<128x8xf32, #tpu.memory_space<vmem_shared>>
      tpu.enqueue_dma source(%arg7 : memref<128x8xf32, #tpu.memory_space<vmem>>) target(%dma_start3A_33 : memref<128x8xf32, #tpu.memory_space<vmem_shared>>) target_semaphore(%run_scoped3A : memref<!tpu.dma_semaphore, #tpu.memory_space<semaphore_mem>>)
      %dma_wait3A = arith.constant 0 : i32
      %dma_wait3A_34 = tpu.memref_slice %arg9[%add3A_8, %dma_wait3A] : memref<10240x8xf32, #tpu.memory_space<vmem_shared>> -> memref<128x8xf32, #tpu.memory_space<vmem_shared>>
      %dma_wait3A_35 = arith.constant 0 : i32
      %dma_wait3A_36 = tpu.memref_slice %arg9[%add3A_8, %dma_wait3A_35] : memref<10240x8xf32, #tpu.memory_space<vmem_shared>> -> memref<128x8xf32, #tpu.memory_space<vmem_shared>>
      tpu.wait_dma2 semaphore(%run_scoped3A : memref<!tpu.dma_semaphore, #tpu.memory_space<semaphore_mem>>) src(%arg7 : memref<128x8xf32, #tpu.memory_space<vmem>>) dst(%dma_wait3A_36 : memref<128x8xf32, #tpu.memory_space<vmem_shared>>)
      tpu.yield
    }) : () -> ()
    %mul3A_9 = arith.constant 640 : i32
    %mul3A_10 = arith.muli %arg1, %mul3A_9 : i32
    %add3A_11 = arith.constant 256 : i32
    %add3A_12 = arith.addi %mul3A_10, %add3A_11 : i32
    "tpu.region"() ({
      %run_scoped3A = tpu.sem_alloc : memref<!tpu.dma_semaphore, #tpu.memory_space<semaphore_mem>>
      %dma_start3A = arith.constant 0 : i32
      %dma_start3A_31 = tpu.memref_slice %arg9[%add3A_12, %dma_start3A] : memref<10240x8xf32, #tpu.memory_space<vmem_shared>> -> memref<128x8xf32, #tpu.memory_space<vmem_shared>>
      %dma_start3A_32 = arith.constant 0 : i32
      %dma_start3A_33 = tpu.memref_slice %arg9[%add3A_12, %dma_start3A_32] : memref<10240x8xf32, #tpu.memory_space<vmem_shared>> -> memref<128x8xf32, #tpu.memory_space<vmem_shared>>
      tpu.enqueue_dma source(%arg7 : memref<128x8xf32, #tpu.memory_space<vmem>>) target(%dma_start3A_33 : memref<128x8xf32, #tpu.memory_space<vmem_shared>>) target_semaphore(%run_scoped3A : memref<!tpu.dma_semaphore, #tpu.memory_space<semaphore_mem>>)
      %dma_wait3A = arith.constant 0 : i32
      %dma_wait3A_34 = tpu.memref_slice %arg9[%add3A_12, %dma_wait3A] : memref<10240x8xf32, #tpu.memory_space<vmem_shared>> -> memref<128x8xf32, #tpu.memory_space<vmem_shared>>
      %dma_wait3A_35 = arith.constant 0 : i32
      %dma_wait3A_36 = tpu.memref_slice %arg9[%add3A_12, %dma_wait3A_35] : memref<10240x8xf32, #tpu.memory_space<vmem_shared>> -> memref<128x8xf32, #tpu.memory_space<vmem_shared>>
      tpu.wait_dma2 semaphore(%run_scoped3A : memref<!tpu.dma_semaphore, #tpu.memory_space<semaphore_mem>>) src(%arg7 : memref<128x8xf32, #tpu.memory_space<vmem>>) dst(%dma_wait3A_36 : memref<128x8xf32, #tpu.memory_space<vmem_shared>>)
      tpu.yield
    }) : () -> ()
    %mul3A_13 = arith.constant 640 : i32
    %mul3A_14 = arith.muli %arg1, %mul3A_13 : i32
    %add3A_15 = arith.constant 384 : i32
    %add3A_16 = arith.addi %mul3A_14, %add3A_15 : i32
    "tpu.region"() ({
      %run_scoped3A = tpu.sem_alloc : memref<!tpu.dma_semaphore, #tpu.memory_space<semaphore_mem>>
      %dma_start3A = arith.constant 0 : i32
      %dma_start3A_31 = tpu.memref_slice %arg9[%add3A_16, %dma_start3A] : memref<10240x8xf32, #tpu.memory_space<vmem_shared>> -> memref<128x8xf32, #tpu.memory_space<vmem_shared>>
      %dma_start3A_32 = arith.constant 0 : i32
      %dma_start3A_33 = tpu.memref_slice %arg9[%add3A_16, %dma_start3A_32] : memref<10240x8xf32, #tpu.memory_space<vmem_shared>> -> memref<128x8xf32, #tpu.memory_space<vmem_shared>>
      tpu.enqueue_dma source(%arg7 : memref<128x8xf32, #tpu.memory_space<vmem>>) target(%dma_start3A_33 : memref<128x8xf32, #tpu.memory_space<vmem_shared>>) target_semaphore(%run_scoped3A : memref<!tpu.dma_semaphore, #tpu.memory_space<semaphore_mem>>)
      %dma_wait3A = arith.constant 0 : i32
      %dma_wait3A_34 = tpu.memref_slice %arg9[%add3A_16, %dma_wait3A] : memref<10240x8xf32, #tpu.memory_space<vmem_shared>> -> memref<128x8xf32, #tpu.memory_space<vmem_shared>>
      %dma_wait3A_35 = arith.constant 0 : i32
      %dma_wait3A_36 = tpu.memref_slice %arg9[%add3A_16, %dma_wait3A_35] : memref<10240x8xf32, #tpu.memory_space<vmem_shared>> -> memref<128x8xf32, #tpu.memory_space<vmem_shared>>
      tpu.wait_dma2 semaphore(%run_scoped3A : memref<!tpu.dma_semaphore, #tpu.memory_space<semaphore_mem>>) src(%arg7 : memref<128x8xf32, #tpu.memory_space<vmem>>) dst(%dma_wait3A_36 : memref<128x8xf32, #tpu.memory_space<vmem_shared>>)
      tpu.yield
    }) : () -> ()
    %mul3A_17 = arith.constant 640 : i32
    %mul3A_18 = arith.muli %arg1, %mul3A_17 : i32
    %add3A_19 = arith.constant 512 : i32
    %add3A_20 = arith.addi %mul3A_18, %add3A_19 : i32
    "tpu.region"() ({
      %run_scoped3A = tpu.sem_alloc : memref<!tpu.dma_semaphore, #tpu.memory_space<semaphore_mem>>
      %dma_start3A = arith.constant 0 : i32
      %dma_start3A_31 = tpu.memref_slice %arg9[%add3A_20, %dma_start3A] : memref<10240x8xf32, #tpu.memory_space<vmem_shared>> -> memref<128x8xf32, #tpu.memory_space<vmem_shared>>
      %dma_start3A_32 = arith.constant 0 : i32
      %dma_start3A_33 = tpu.memref_slice %arg9[%add3A_20, %dma_start3A_32] : memref<10240x8xf32, #tpu.memory_space<vmem_shared>> -> memref<128x8xf32, #tpu.memory_space<vmem_shared>>
      tpu.enqueue_dma source(%arg7 : memref<128x8xf32, #tpu.memory_space<vmem>>) target(%dma_start3A_33 : memref<128x8xf32, #tpu.memory_space<vmem_shared>>) target_semaphore(%run_scoped3A : memref<!tpu.dma_semaphore, #tpu.memory_space<semaphore_mem>>)
      %dma_wait3A = arith.constant 0 : i32
      %dma_wait3A_34 = tpu.memref_slice %arg9[%add3A_20, %dma_wait3A] : memref<10240x8xf32, #tpu.memory_space<vmem_shared>> -> memref<128x8xf32, #tpu.memory_space<vmem_shared>>
      %dma_wait3A_35 = arith.constant 0 : i32
      %dma_wait3A_36 = tpu.memref_slice %arg9[%add3A_20, %dma_wait3A_35] : memref<10240x8xf32, #tpu.memory_space<vmem_shared>> -> memref<128x8xf32, #tpu.memory_space<vmem_shared>>
      tpu.wait_dma2 semaphore(%run_scoped3A : memref<!tpu.dma_semaphore, #tpu.memory_space<semaphore_mem>>) src(%arg7 : memref<128x8xf32, #tpu.memory_space<vmem>>) dst(%dma_wait3A_36 : memref<128x8xf32, #tpu.memory_space<vmem_shared>>)
      tpu.yield
    }) : () -> ()
    "tpu.region"() ({
      %run_scoped3A = tpu.sem_alloc : memref<!tpu.dma_semaphore, #tpu.memory_space<semaphore_mem>>
      %dma_start3A = arith.constant 0 : i32
      %dma_start3A_31 = arith.constant 0 : i32
      %dma_start3A_32 = tpu.memref_slice %arg2[%add3A, %dma_start3A, %dma_start3A_31] : memref<32x79x128xi32, #tpu.memory_space<hbm>> -> memref<1x79x128xi32, #tpu.memory_space<hbm>>
      %dma_start3A_33 = tpu.memref_squeeze %dma_start3A_32 : memref<1x79x128xi32, #tpu.memory_space<hbm>> -> memref<79x128xi32, #tpu.memory_space<hbm>>
      %dma_start3A_34 = arith.constant 0 : i32
      %dma_start3A_35 = arith.constant 0 : i32
      %dma_start3A_36 = tpu.memref_slice %arg2[%add3A, %dma_start3A_34, %dma_start3A_35] : memref<32x79x128xi32, #tpu.memory_space<hbm>> -> memref<1x79x128xi32, #tpu.memory_space<hbm>>
      %dma_start3A_37 = tpu.memref_squeeze %dma_start3A_36 : memref<1x79x128xi32, #tpu.memory_space<hbm>> -> memref<79x128xi32, #tpu.memory_space<hbm>>
      tpu.enqueue_dma source(%dma_start3A_37 : memref<79x128xi32, #tpu.memory_space<hbm>>) target(%arg8 : memref<79x128xi32, #tpu.memory_space<vmem>>) target_semaphore(%run_scoped3A : memref<!tpu.dma_semaphore, #tpu.memory_space<semaphore_mem>>)
      %dma_wait3A = arith.constant 0 : i32
      %dma_wait3A_38 = arith.constant 0 : i32
      %dma_wait3A_39 = tpu.memref_slice %arg2[%add3A, %dma_wait3A, %dma_wait3A_38] : memref<32x79x128xi32, #tpu.memory_space<hbm>> -> memref<1x79x128xi32, #tpu.memory_space<hbm>>
      %dma_wait3A_40 = tpu.memref_squeeze %dma_wait3A_39 : memref<1x79x128xi32, #tpu.memory_space<hbm>> -> memref<79x128xi32, #tpu.memory_space<hbm>>
      %dma_wait3A_41 = arith.constant 0 : i32
      %dma_wait3A_42 = arith.constant 0 : i32
      %dma_wait3A_43 = tpu.memref_slice %arg2[%add3A, %dma_wait3A_41, %dma_wait3A_42] : memref<32x79x128xi32, #tpu.memory_space<hbm>> -> memref<1x79x128xi32, #tpu.memory_space<hbm>>
      %dma_wait3A_44 = tpu.memref_squeeze %dma_wait3A_43 : memref<1x79x128xi32, #tpu.memory_space<hbm>> -> memref<79x128xi32, #tpu.memory_space<hbm>>
      tpu.wait_dma2 semaphore(%run_scoped3A : memref<!tpu.dma_semaphore, #tpu.memory_space<semaphore_mem>>) src(%dma_wait3A_44 : memref<79x128xi32, #tpu.memory_space<hbm>>) dst(%arg8 : memref<79x128xi32, #tpu.memory_space<vmem>>)
      tpu.yield
    }) : () -> ()
    "tpu.region"() ({
      %run_scoped3A = tpu.sem_alloc : memref<!tpu.dma_semaphore, #tpu.memory_space<semaphore_mem>>
      tpu.enqueue_dma source(%arg3 : memref<128x8xf32, #tpu.memory_space<hbm>>) target(%arg6 : memref<128x8xf32, #tpu.memory_space<vmem>>) target_semaphore(%run_scoped3A : memref<!tpu.dma_semaphore, #tpu.memory_space<semaphore_mem>>)
      tpu.wait_dma2 semaphore(%run_scoped3A : memref<!tpu.dma_semaphore, #tpu.memory_space<semaphore_mem>>) src(%arg3 : memref<128x8xf32, #tpu.memory_space<hbm>>) dst(%arg6 : memref<128x8xf32, #tpu.memory_space<vmem>>)
      tpu.yield
    }) : () -> ()
    %barrier3A = arith.constant 0 : index
    tpu.barrier barrier_id(%barrier3A)
    %scan3A = arith.constant 0 : i32
    %scan3A_21 = arith.constant 0 : i32
    %scan3A_22 = arith.constant 79 : i32
    %scan3A_23 = arith.addi %scan3A_21, %scan3A_22 : i32
    %scan3A_24 = arith.constant 1 : i32
    scf.for %scan3A_31 = %scan3A_21 to %scan3A_23 step %scan3A_24  : i32 {
      "tpu.region"() ({
        %run_scoped3A = tpu.sem_alloc : memref<!tpu.dma_semaphore, #tpu.memory_space<semaphore_mem>>
        %dma_start3A = arith.constant 0 : i32
        %dma_start3A_32 = tpu.memref_slice %arg8[%scan3A_31, %dma_start3A] : memref<79x128xi32, #tpu.memory_space<vmem>> -> memref<1x128xi32, #tpu.memory_space<vmem>>
        %dma_start3A_33 = tpu.memref_squeeze %dma_start3A_32 : memref<1x128xi32, #tpu.memory_space<vmem>> -> memref<128xi32, #tpu.memory_space<vmem>>
        %dma_start3A_34 = arith.constant 0 : i32
        %dma_start3A_35 = arith.constant 0 : i32
        %dma_start3A_36 = tpu.memref_slice %arg9[%dma_start3A_34, %dma_start3A_35] : memref<10240x8xf32, #tpu.memory_space<vmem_shared>> -> memref<10240x8xf32, #tpu.memory_space<vmem_shared>>
        tpu.enqueue_indirect_dma source(%arg6 : memref<128x8xf32, #tpu.memory_space<vmem>>) target(%dma_start3A_36 : memref<10240x8xf32, #tpu.memory_space<vmem_shared>>) offsets(%dma_start3A_33 : memref<128xi32, #tpu.memory_space<vmem>>) semaphore(%run_scoped3A : memref<!tpu.dma_semaphore, #tpu.memory_space<semaphore_mem>>) {add = true}
        %dma_wait3A = arith.constant 0 : i32
        %dma_wait3A_37 = tpu.memref_slice %arg8[%scan3A_31, %dma_wait3A] : memref<79x128xi32, #tpu.memory_space<vmem>> -> memref<1x128xi32, #tpu.memory_space<vmem>>
        %dma_wait3A_38 = tpu.memref_squeeze %dma_wait3A_37 : memref<1x128xi32, #tpu.memory_space<vmem>> -> memref<128xi32, #tpu.memory_space<vmem>>
        %dma_wait3A_39 = arith.constant 0 : i32
        %dma_wait3A_40 = arith.constant 0 : i32
        %dma_wait3A_41 = tpu.memref_slice %arg9[%dma_wait3A_39, %dma_wait3A_40] : memref<10240x8xf32, #tpu.memory_space<vmem_shared>> -> memref<10240x8xf32, #tpu.memory_space<vmem_shared>>
        tpu.wait_indirect_dma semaphore(%run_scoped3A : memref<!tpu.dma_semaphore, #tpu.memory_space<semaphore_mem>>) src(%arg6 : memref<128x8xf32, #tpu.memory_space<vmem>>) dst(%dma_wait3A_41 : memref<10240x8xf32, #tpu.memory_space<vmem_shared>>)
        tpu.yield
      }) : () -> ()
    }
    %scan3A_25 = arith.constant 79 : i32
    %barrier3A_26 = arith.constant 0 : index
    tpu.barrier barrier_id(%barrier3A_26)
    %mul3A_27 = arith.constant 640 : i32
    %mul3A_28 = arith.muli %arg1, %mul3A_27 : i32
    %mul3A_29 = arith.constant 640 : i32
    %mul3A_30 = arith.muli %arg1, %mul3A_29 : i32
    "tpu.region"() ({
      %run_scoped3A = tpu.sem_alloc : memref<!tpu.dma_semaphore, #tpu.memory_space<semaphore_mem>>
      %dma_start3A = arith.constant 0 : i32
      %dma_start3A_31 = tpu.memref_slice %arg5[%arg0, %mul3A_30, %dma_start3A] : memref<2x10240x8xf32, #tpu.memory_space<hbm>> -> memref<1x640x8xf32, #tpu.memory_space<hbm>>
      %dma_start3A_32 = tpu.memref_squeeze %dma_start3A_31 : memref<1x640x8xf32, #tpu.memory_space<hbm>> -> memref<640x8xf32, #tpu.memory_space<hbm>>
      %dma_start3A_33 = arith.constant 0 : i32
      %dma_start3A_34 = tpu.memref_slice %arg9[%mul3A_28, %dma_start3A_33] : memref<10240x8xf32, #tpu.memory_space<vmem_shared>> -> memref<640x8xf32, #tpu.memory_space<vmem_shared>>
      tpu.enqueue_dma source(%dma_start3A_34 : memref<640x8xf32, #tpu.memory_space<vmem_shared>>) target(%dma_start3A_32 : memref<640x8xf32, #tpu.memory_space<hbm>>) target_semaphore(%run_scoped3A : memref<!tpu.dma_semaphore, #tpu.memory_space<semaphore_mem>>)
      %dma_wait3A = arith.constant 0 : i32
      %dma_wait3A_35 = tpu.memref_slice %arg5[%arg0, %mul3A_30, %dma_wait3A] : memref<2x10240x8xf32, #tpu.memory_space<hbm>> -> memref<1x640x8xf32, #tpu.memory_space<hbm>>
      %dma_wait3A_36 = tpu.memref_squeeze %dma_wait3A_35 : memref<1x640x8xf32, #tpu.memory_space<hbm>> -> memref<640x8xf32, #tpu.memory_space<hbm>>
      %dma_wait3A_37 = arith.constant 0 : i32
      %dma_wait3A_38 = tpu.memref_slice %arg9[%mul3A_28, %dma_wait3A_37] : memref<10240x8xf32, #tpu.memory_space<vmem_shared>> -> memref<640x8xf32, #tpu.memory_space<vmem_shared>>
      tpu.wait_dma2 semaphore(%run_scoped3A : memref<!tpu.dma_semaphore, #tpu.memory_space<semaphore_mem>>) src(%dma_wait3A_38 : memref<640x8xf32, #tpu.memory_space<vmem_shared>>) dst(%dma_wait3A_36 : memref<640x8xf32, #tpu.memory_space<hbm>>)
      tpu.yield
    }) : () -> ()
    return
  }
}

#map = affine_map<(d0, d1) -> (0, 0)>
#map1 = affine_map<(d0, d1) -> (0, 0, 0)>
module attributes {stable_mosaic.version = 14 : i64} {
  func.func @body(%arg0: i32, %arg1: i32, %arg2: memref<10240x64xf32, #tpu.memory_space<hbm>>, %arg3: memref<32x79x128xi32, #tpu.memory_space<hbm>>, %arg4: memref<32x79x128xi32, #tpu.memory_space<hbm>>, %arg5: memref<128x64xf32, #tpu.memory_space<hbm>>, %arg6: memref<2x10240x64xf32, #tpu.memory_space<hbm>>, %arg7: memref<79x128xi32, #tpu.memory_space<vmem>>, %arg8: memref<79x128xi32, #tpu.memory_space<vmem>>, %arg9: memref<128x64xf32, #tpu.memory_space<vmem>>, %arg10: memref<128x64xf32, #tpu.memory_space<vmem>>, %arg11: memref<10240x64xf32, #tpu.memory_space<vmem_shared>>, %arg12: memref<10240x64xf32, #tpu.memory_space<vmem_shared>>, %arg13: memref<!tpu.dma_semaphore, #tpu.memory_space<semaphore_mem>>) attributes {dimension_semantics = [#tpu.dimension_semantics<core_parallel>, #tpu.dimension_semantics<subcore_parallel>], iteration_bounds = array<i64: 2, 16>, scalar_prefetch = 0 : i64, scratch_operands = 7 : i64, tpu.core_type = #tpu.core_type<sc_vector_subcore>, window_params = [{transform_indices = #map}, {transform_indices = #map1}, {transform_indices = #map1}, {transform_indices = #map}, {transform_indices = #map1}]} {
    %mul3A = arith.constant 16 : i32
    %mul3A_0 = arith.muli %arg0, %mul3A : i32
    %add3A = arith.addi %mul3A_0, %arg1 : i32
    "tpu.region"() ({
      %run_scoped3A = tpu.sem_alloc : memref<!tpu.dma_semaphore, #tpu.memory_space<semaphore_mem>>
      tpu.enqueue_dma source(%arg5 : memref<128x64xf32, #tpu.memory_space<hbm>>) target(%arg10 : memref<128x64xf32, #tpu.memory_space<vmem>>) target_semaphore(%run_scoped3A : memref<!tpu.dma_semaphore, #tpu.memory_space<semaphore_mem>>)
      tpu.wait_dma2 semaphore(%run_scoped3A : memref<!tpu.dma_semaphore, #tpu.memory_space<semaphore_mem>>) src(%arg5 : memref<128x64xf32, #tpu.memory_space<hbm>>) dst(%arg10 : memref<128x64xf32, #tpu.memory_space<vmem>>)
      tpu.yield
    }) : () -> ()
    %mul3A_1 = arith.constant 640 : i32
    %mul3A_2 = arith.muli %arg1, %mul3A_1 : i32
    %add3A_3 = arith.constant 0 : i32
    %add3A_4 = arith.addi %mul3A_2, %add3A_3 : i32
    "tpu.region"() ({
      %run_scoped3A = tpu.sem_alloc : memref<!tpu.dma_semaphore, #tpu.memory_space<semaphore_mem>>
      %dma_start3A = arith.constant 0 : i32
      %dma_start3A_35 = tpu.memref_slice %arg12[%add3A_4, %dma_start3A] : memref<10240x64xf32, #tpu.memory_space<vmem_shared>> -> memref<128x64xf32, #tpu.memory_space<vmem_shared>>
      %dma_start3A_36 = arith.constant 0 : i32
      %dma_start3A_37 = tpu.memref_slice %arg12[%add3A_4, %dma_start3A_36] : memref<10240x64xf32, #tpu.memory_space<vmem_shared>> -> memref<128x64xf32, #tpu.memory_space<vmem_shared>>
      tpu.enqueue_dma source(%arg10 : memref<128x64xf32, #tpu.memory_space<vmem>>) target(%dma_start3A_37 : memref<128x64xf32, #tpu.memory_space<vmem_shared>>) target_semaphore(%run_scoped3A : memref<!tpu.dma_semaphore, #tpu.memory_space<semaphore_mem>>)
      %dma_wait3A = arith.constant 0 : i32
      %dma_wait3A_38 = tpu.memref_slice %arg12[%add3A_4, %dma_wait3A] : memref<10240x64xf32, #tpu.memory_space<vmem_shared>> -> memref<128x64xf32, #tpu.memory_space<vmem_shared>>
      %dma_wait3A_39 = arith.constant 0 : i32
      %dma_wait3A_40 = tpu.memref_slice %arg12[%add3A_4, %dma_wait3A_39] : memref<10240x64xf32, #tpu.memory_space<vmem_shared>> -> memref<128x64xf32, #tpu.memory_space<vmem_shared>>
      tpu.wait_dma2 semaphore(%run_scoped3A : memref<!tpu.dma_semaphore, #tpu.memory_space<semaphore_mem>>) src(%arg10 : memref<128x64xf32, #tpu.memory_space<vmem>>) dst(%dma_wait3A_40 : memref<128x64xf32, #tpu.memory_space<vmem_shared>>)
      tpu.yield
    }) : () -> ()
    %mul3A_5 = arith.constant 640 : i32
    %mul3A_6 = arith.muli %arg1, %mul3A_5 : i32
    %add3A_7 = arith.constant 128 : i32
    %add3A_8 = arith.addi %mul3A_6, %add3A_7 : i32
    "tpu.region"() ({
      %run_scoped3A = tpu.sem_alloc : memref<!tpu.dma_semaphore, #tpu.memory_space<semaphore_mem>>
      %dma_start3A = arith.constant 0 : i32
      %dma_start3A_35 = tpu.memref_slice %arg12[%add3A_8, %dma_start3A] : memref<10240x64xf32, #tpu.memory_space<vmem_shared>> -> memref<128x64xf32, #tpu.memory_space<vmem_shared>>
      %dma_start3A_36 = arith.constant 0 : i32
      %dma_start3A_37 = tpu.memref_slice %arg12[%add3A_8, %dma_start3A_36] : memref<10240x64xf32, #tpu.memory_space<vmem_shared>> -> memref<128x64xf32, #tpu.memory_space<vmem_shared>>
      tpu.enqueue_dma source(%arg10 : memref<128x64xf32, #tpu.memory_space<vmem>>) target(%dma_start3A_37 : memref<128x64xf32, #tpu.memory_space<vmem_shared>>) target_semaphore(%run_scoped3A : memref<!tpu.dma_semaphore, #tpu.memory_space<semaphore_mem>>)
      %dma_wait3A = arith.constant 0 : i32
      %dma_wait3A_38 = tpu.memref_slice %arg12[%add3A_8, %dma_wait3A] : memref<10240x64xf32, #tpu.memory_space<vmem_shared>> -> memref<128x64xf32, #tpu.memory_space<vmem_shared>>
      %dma_wait3A_39 = arith.constant 0 : i32
      %dma_wait3A_40 = tpu.memref_slice %arg12[%add3A_8, %dma_wait3A_39] : memref<10240x64xf32, #tpu.memory_space<vmem_shared>> -> memref<128x64xf32, #tpu.memory_space<vmem_shared>>
      tpu.wait_dma2 semaphore(%run_scoped3A : memref<!tpu.dma_semaphore, #tpu.memory_space<semaphore_mem>>) src(%arg10 : memref<128x64xf32, #tpu.memory_space<vmem>>) dst(%dma_wait3A_40 : memref<128x64xf32, #tpu.memory_space<vmem_shared>>)
      tpu.yield
    }) : () -> ()
    %mul3A_9 = arith.constant 640 : i32
    %mul3A_10 = arith.muli %arg1, %mul3A_9 : i32
    %add3A_11 = arith.constant 256 : i32
    %add3A_12 = arith.addi %mul3A_10, %add3A_11 : i32
    "tpu.region"() ({
      %run_scoped3A = tpu.sem_alloc : memref<!tpu.dma_semaphore, #tpu.memory_space<semaphore_mem>>
      %dma_start3A = arith.constant 0 : i32
      %dma_start3A_35 = tpu.memref_slice %arg12[%add3A_12, %dma_start3A] : memref<10240x64xf32, #tpu.memory_space<vmem_shared>> -> memref<128x64xf32, #tpu.memory_space<vmem_shared>>
      %dma_start3A_36 = arith.constant 0 : i32
      %dma_start3A_37 = tpu.memref_slice %arg12[%add3A_12, %dma_start3A_36] : memref<10240x64xf32, #tpu.memory_space<vmem_shared>> -> memref<128x64xf32, #tpu.memory_space<vmem_shared>>
      tpu.enqueue_dma source(%arg10 : memref<128x64xf32, #tpu.memory_space<vmem>>) target(%dma_start3A_37 : memref<128x64xf32, #tpu.memory_space<vmem_shared>>) target_semaphore(%run_scoped3A : memref<!tpu.dma_semaphore, #tpu.memory_space<semaphore_mem>>)
      %dma_wait3A = arith.constant 0 : i32
      %dma_wait3A_38 = tpu.memref_slice %arg12[%add3A_12, %dma_wait3A] : memref<10240x64xf32, #tpu.memory_space<vmem_shared>> -> memref<128x64xf32, #tpu.memory_space<vmem_shared>>
      %dma_wait3A_39 = arith.constant 0 : i32
      %dma_wait3A_40 = tpu.memref_slice %arg12[%add3A_12, %dma_wait3A_39] : memref<10240x64xf32, #tpu.memory_space<vmem_shared>> -> memref<128x64xf32, #tpu.memory_space<vmem_shared>>
      tpu.wait_dma2 semaphore(%run_scoped3A : memref<!tpu.dma_semaphore, #tpu.memory_space<semaphore_mem>>) src(%arg10 : memref<128x64xf32, #tpu.memory_space<vmem>>) dst(%dma_wait3A_40 : memref<128x64xf32, #tpu.memory_space<vmem_shared>>)
      tpu.yield
    }) : () -> ()
    %mul3A_13 = arith.constant 640 : i32
    %mul3A_14 = arith.muli %arg1, %mul3A_13 : i32
    %add3A_15 = arith.constant 384 : i32
    %add3A_16 = arith.addi %mul3A_14, %add3A_15 : i32
    "tpu.region"() ({
      %run_scoped3A = tpu.sem_alloc : memref<!tpu.dma_semaphore, #tpu.memory_space<semaphore_mem>>
      %dma_start3A = arith.constant 0 : i32
      %dma_start3A_35 = tpu.memref_slice %arg12[%add3A_16, %dma_start3A] : memref<10240x64xf32, #tpu.memory_space<vmem_shared>> -> memref<128x64xf32, #tpu.memory_space<vmem_shared>>
      %dma_start3A_36 = arith.constant 0 : i32
      %dma_start3A_37 = tpu.memref_slice %arg12[%add3A_16, %dma_start3A_36] : memref<10240x64xf32, #tpu.memory_space<vmem_shared>> -> memref<128x64xf32, #tpu.memory_space<vmem_shared>>
      tpu.enqueue_dma source(%arg10 : memref<128x64xf32, #tpu.memory_space<vmem>>) target(%dma_start3A_37 : memref<128x64xf32, #tpu.memory_space<vmem_shared>>) target_semaphore(%run_scoped3A : memref<!tpu.dma_semaphore, #tpu.memory_space<semaphore_mem>>)
      %dma_wait3A = arith.constant 0 : i32
      %dma_wait3A_38 = tpu.memref_slice %arg12[%add3A_16, %dma_wait3A] : memref<10240x64xf32, #tpu.memory_space<vmem_shared>> -> memref<128x64xf32, #tpu.memory_space<vmem_shared>>
      %dma_wait3A_39 = arith.constant 0 : i32
      %dma_wait3A_40 = tpu.memref_slice %arg12[%add3A_16, %dma_wait3A_39] : memref<10240x64xf32, #tpu.memory_space<vmem_shared>> -> memref<128x64xf32, #tpu.memory_space<vmem_shared>>
      tpu.wait_dma2 semaphore(%run_scoped3A : memref<!tpu.dma_semaphore, #tpu.memory_space<semaphore_mem>>) src(%arg10 : memref<128x64xf32, #tpu.memory_space<vmem>>) dst(%dma_wait3A_40 : memref<128x64xf32, #tpu.memory_space<vmem_shared>>)
      tpu.yield
    }) : () -> ()
    %mul3A_17 = arith.constant 640 : i32
    %mul3A_18 = arith.muli %arg1, %mul3A_17 : i32
    %add3A_19 = arith.constant 512 : i32
    %add3A_20 = arith.addi %mul3A_18, %add3A_19 : i32
    "tpu.region"() ({
      %run_scoped3A = tpu.sem_alloc : memref<!tpu.dma_semaphore, #tpu.memory_space<semaphore_mem>>
      %dma_start3A = arith.constant 0 : i32
      %dma_start3A_35 = tpu.memref_slice %arg12[%add3A_20, %dma_start3A] : memref<10240x64xf32, #tpu.memory_space<vmem_shared>> -> memref<128x64xf32, #tpu.memory_space<vmem_shared>>
      %dma_start3A_36 = arith.constant 0 : i32
      %dma_start3A_37 = tpu.memref_slice %arg12[%add3A_20, %dma_start3A_36] : memref<10240x64xf32, #tpu.memory_space<vmem_shared>> -> memref<128x64xf32, #tpu.memory_space<vmem_shared>>
      tpu.enqueue_dma source(%arg10 : memref<128x64xf32, #tpu.memory_space<vmem>>) target(%dma_start3A_37 : memref<128x64xf32, #tpu.memory_space<vmem_shared>>) target_semaphore(%run_scoped3A : memref<!tpu.dma_semaphore, #tpu.memory_space<semaphore_mem>>)
      %dma_wait3A = arith.constant 0 : i32
      %dma_wait3A_38 = tpu.memref_slice %arg12[%add3A_20, %dma_wait3A] : memref<10240x64xf32, #tpu.memory_space<vmem_shared>> -> memref<128x64xf32, #tpu.memory_space<vmem_shared>>
      %dma_wait3A_39 = arith.constant 0 : i32
      %dma_wait3A_40 = tpu.memref_slice %arg12[%add3A_20, %dma_wait3A_39] : memref<10240x64xf32, #tpu.memory_space<vmem_shared>> -> memref<128x64xf32, #tpu.memory_space<vmem_shared>>
      tpu.wait_dma2 semaphore(%run_scoped3A : memref<!tpu.dma_semaphore, #tpu.memory_space<semaphore_mem>>) src(%arg10 : memref<128x64xf32, #tpu.memory_space<vmem>>) dst(%dma_wait3A_40 : memref<128x64xf32, #tpu.memory_space<vmem_shared>>)
      tpu.yield
    }) : () -> ()
    %mul3A_21 = arith.constant 640 : i32
    %mul3A_22 = arith.muli %arg1, %mul3A_21 : i32
    %mul3A_23 = arith.constant 640 : i32
    %mul3A_24 = arith.muli %arg1, %mul3A_23 : i32
    "tpu.region"() ({
      %run_scoped3A = tpu.sem_alloc : memref<!tpu.dma_semaphore, #tpu.memory_space<semaphore_mem>>
      %dma_start3A = arith.constant 0 : i32
      %dma_start3A_35 = tpu.memref_slice %arg11[%mul3A_24, %dma_start3A] : memref<10240x64xf32, #tpu.memory_space<vmem_shared>> -> memref<640x64xf32, #tpu.memory_space<vmem_shared>>
      %dma_start3A_36 = arith.constant 0 : i32
      %dma_start3A_37 = tpu.memref_slice %arg2[%mul3A_22, %dma_start3A_36] : memref<10240x64xf32, #tpu.memory_space<hbm>> -> memref<640x64xf32, #tpu.memory_space<hbm>>
      tpu.enqueue_dma source(%dma_start3A_37 : memref<640x64xf32, #tpu.memory_space<hbm>>) target(%dma_start3A_35 : memref<640x64xf32, #tpu.memory_space<vmem_shared>>) target_semaphore(%run_scoped3A : memref<!tpu.dma_semaphore, #tpu.memory_space<semaphore_mem>>)
      %dma_wait3A = arith.constant 0 : i32
      %dma_wait3A_38 = tpu.memref_slice %arg11[%mul3A_24, %dma_wait3A] : memref<10240x64xf32, #tpu.memory_space<vmem_shared>> -> memref<640x64xf32, #tpu.memory_space<vmem_shared>>
      %dma_wait3A_39 = arith.constant 0 : i32
      %dma_wait3A_40 = tpu.memref_slice %arg2[%mul3A_22, %dma_wait3A_39] : memref<10240x64xf32, #tpu.memory_space<hbm>> -> memref<640x64xf32, #tpu.memory_space<hbm>>
      tpu.wait_dma2 semaphore(%run_scoped3A : memref<!tpu.dma_semaphore, #tpu.memory_space<semaphore_mem>>) src(%dma_wait3A_40 : memref<640x64xf32, #tpu.memory_space<hbm>>) dst(%dma_wait3A_38 : memref<640x64xf32, #tpu.memory_space<vmem_shared>>)
      tpu.yield
    }) : () -> ()
    "tpu.region"() ({
      %run_scoped3A = tpu.sem_alloc : memref<!tpu.dma_semaphore, #tpu.memory_space<semaphore_mem>>
      %dma_start3A = arith.constant 0 : i32
      %dma_start3A_35 = arith.constant 0 : i32
      %dma_start3A_36 = tpu.memref_slice %arg3[%add3A, %dma_start3A, %dma_start3A_35] : memref<32x79x128xi32, #tpu.memory_space<hbm>> -> memref<1x79x128xi32, #tpu.memory_space<hbm>>
      %dma_start3A_37 = tpu.memref_squeeze %dma_start3A_36 : memref<1x79x128xi32, #tpu.memory_space<hbm>> -> memref<79x128xi32, #tpu.memory_space<hbm>>
      %dma_start3A_38 = arith.constant 0 : i32
      %dma_start3A_39 = arith.constant 0 : i32
      %dma_start3A_40 = tpu.memref_slice %arg3[%add3A, %dma_start3A_38, %dma_start3A_39] : memref<32x79x128xi32, #tpu.memory_space<hbm>> -> memref<1x79x128xi32, #tpu.memory_space<hbm>>
      %dma_start3A_41 = tpu.memref_squeeze %dma_start3A_40 : memref<1x79x128xi32, #tpu.memory_space<hbm>> -> memref<79x128xi32, #tpu.memory_space<hbm>>
      tpu.enqueue_dma source(%dma_start3A_41 : memref<79x128xi32, #tpu.memory_space<hbm>>) target(%arg7 : memref<79x128xi32, #tpu.memory_space<vmem>>) target_semaphore(%run_scoped3A : memref<!tpu.dma_semaphore, #tpu.memory_space<semaphore_mem>>)
      %dma_wait3A = arith.constant 0 : i32
      %dma_wait3A_42 = arith.constant 0 : i32
      %dma_wait3A_43 = tpu.memref_slice %arg3[%add3A, %dma_wait3A, %dma_wait3A_42] : memref<32x79x128xi32, #tpu.memory_space<hbm>> -> memref<1x79x128xi32, #tpu.memory_space<hbm>>
      %dma_wait3A_44 = tpu.memref_squeeze %dma_wait3A_43 : memref<1x79x128xi32, #tpu.memory_space<hbm>> -> memref<79x128xi32, #tpu.memory_space<hbm>>
      %dma_wait3A_45 = arith.constant 0 : i32
      %dma_wait3A_46 = arith.constant 0 : i32
      %dma_wait3A_47 = tpu.memref_slice %arg3[%add3A, %dma_wait3A_45, %dma_wait3A_46] : memref<32x79x128xi32, #tpu.memory_space<hbm>> -> memref<1x79x128xi32, #tpu.memory_space<hbm>>
      %dma_wait3A_48 = tpu.memref_squeeze %dma_wait3A_47 : memref<1x79x128xi32, #tpu.memory_space<hbm>> -> memref<79x128xi32, #tpu.memory_space<hbm>>
      tpu.wait_dma2 semaphore(%run_scoped3A : memref<!tpu.dma_semaphore, #tpu.memory_space<semaphore_mem>>) src(%dma_wait3A_48 : memref<79x128xi32, #tpu.memory_space<hbm>>) dst(%arg7 : memref<79x128xi32, #tpu.memory_space<vmem>>)
      tpu.yield
    }) : () -> ()
    "tpu.region"() ({
      %run_scoped3A = tpu.sem_alloc : memref<!tpu.dma_semaphore, #tpu.memory_space<semaphore_mem>>
      %dma_start3A = arith.constant 0 : i32
      %dma_start3A_35 = arith.constant 0 : i32
      %dma_start3A_36 = tpu.memref_slice %arg4[%add3A, %dma_start3A, %dma_start3A_35] : memref<32x79x128xi32, #tpu.memory_space<hbm>> -> memref<1x79x128xi32, #tpu.memory_space<hbm>>
      %dma_start3A_37 = tpu.memref_squeeze %dma_start3A_36 : memref<1x79x128xi32, #tpu.memory_space<hbm>> -> memref<79x128xi32, #tpu.memory_space<hbm>>
      %dma_start3A_38 = arith.constant 0 : i32
      %dma_start3A_39 = arith.constant 0 : i32
      %dma_start3A_40 = tpu.memref_slice %arg4[%add3A, %dma_start3A_38, %dma_start3A_39] : memref<32x79x128xi32, #tpu.memory_space<hbm>> -> memref<1x79x128xi32, #tpu.memory_space<hbm>>
      %dma_start3A_41 = tpu.memref_squeeze %dma_start3A_40 : memref<1x79x128xi32, #tpu.memory_space<hbm>> -> memref<79x128xi32, #tpu.memory_space<hbm>>
      tpu.enqueue_dma source(%dma_start3A_41 : memref<79x128xi32, #tpu.memory_space<hbm>>) target(%arg8 : memref<79x128xi32, #tpu.memory_space<vmem>>) target_semaphore(%run_scoped3A : memref<!tpu.dma_semaphore, #tpu.memory_space<semaphore_mem>>)
      %dma_wait3A = arith.constant 0 : i32
      %dma_wait3A_42 = arith.constant 0 : i32
      %dma_wait3A_43 = tpu.memref_slice %arg4[%add3A, %dma_wait3A, %dma_wait3A_42] : memref<32x79x128xi32, #tpu.memory_space<hbm>> -> memref<1x79x128xi32, #tpu.memory_space<hbm>>
      %dma_wait3A_44 = tpu.memref_squeeze %dma_wait3A_43 : memref<1x79x128xi32, #tpu.memory_space<hbm>> -> memref<79x128xi32, #tpu.memory_space<hbm>>
      %dma_wait3A_45 = arith.constant 0 : i32
      %dma_wait3A_46 = arith.constant 0 : i32
      %dma_wait3A_47 = tpu.memref_slice %arg4[%add3A, %dma_wait3A_45, %dma_wait3A_46] : memref<32x79x128xi32, #tpu.memory_space<hbm>> -> memref<1x79x128xi32, #tpu.memory_space<hbm>>
      %dma_wait3A_48 = tpu.memref_squeeze %dma_wait3A_47 : memref<1x79x128xi32, #tpu.memory_space<hbm>> -> memref<79x128xi32, #tpu.memory_space<hbm>>
      tpu.wait_dma2 semaphore(%run_scoped3A : memref<!tpu.dma_semaphore, #tpu.memory_space<semaphore_mem>>) src(%dma_wait3A_48 : memref<79x128xi32, #tpu.memory_space<hbm>>) dst(%arg8 : memref<79x128xi32, #tpu.memory_space<vmem>>)
      tpu.yield
    }) : () -> ()
    %barrier3A = arith.constant 0 : index
    tpu.barrier barrier_id(%barrier3A)
    %scan3A = arith.constant 0 : i32
    %scan3A_25 = arith.constant 0 : i32
    %scan3A_26 = arith.constant 79 : i32
    %scan3A_27 = arith.addi %scan3A_25, %scan3A_26 : i32
    %scan3A_28 = arith.constant 1 : i32
    scf.for %scan3A_35 = %scan3A_25 to %scan3A_27 step %scan3A_28  : i32 {
      %dma_start3A = arith.constant 0 : i32
      %dma_start3A_36 = tpu.memref_slice %arg7[%scan3A_35, %dma_start3A] : memref<79x128xi32, #tpu.memory_space<vmem>> -> memref<1x128xi32, #tpu.memory_space<vmem>>
      %dma_start3A_37 = tpu.memref_squeeze %dma_start3A_36 : memref<1x128xi32, #tpu.memory_space<vmem>> -> memref<128xi32, #tpu.memory_space<vmem>>
      %dma_start3A_38 = arith.constant 0 : i32
      %dma_start3A_39 = arith.constant 0 : i32
      %dma_start3A_40 = tpu.memref_slice %arg11[%dma_start3A_38, %dma_start3A_39] : memref<10240x64xf32, #tpu.memory_space<vmem_shared>> -> memref<10240x64xf32, #tpu.memory_space<vmem_shared>>
      tpu.enqueue_indirect_dma source(%dma_start3A_40 : memref<10240x64xf32, #tpu.memory_space<vmem_shared>>) target(%arg9 : memref<128x64xf32, #tpu.memory_space<vmem>>) offsets(%dma_start3A_37 : memref<128xi32, #tpu.memory_space<vmem>>) semaphore(%arg13 : memref<!tpu.dma_semaphore, #tpu.memory_space<semaphore_mem>>)
      %dma_wait3A = arith.constant 0 : i32
      %dma_wait3A_41 = tpu.memref_slice %arg7[%scan3A_35, %dma_wait3A] : memref<79x128xi32, #tpu.memory_space<vmem>> -> memref<1x128xi32, #tpu.memory_space<vmem>>
      %dma_wait3A_42 = tpu.memref_squeeze %dma_wait3A_41 : memref<1x128xi32, #tpu.memory_space<vmem>> -> memref<128xi32, #tpu.memory_space<vmem>>
      %dma_wait3A_43 = arith.constant 0 : i32
      %dma_wait3A_44 = arith.constant 0 : i32
      %dma_wait3A_45 = tpu.memref_slice %arg11[%dma_wait3A_43, %dma_wait3A_44] : memref<10240x64xf32, #tpu.memory_space<vmem_shared>> -> memref<10240x64xf32, #tpu.memory_space<vmem_shared>>
      tpu.wait_indirect_dma semaphore(%arg13 : memref<!tpu.dma_semaphore, #tpu.memory_space<semaphore_mem>>) src(%dma_wait3A_45 : memref<10240x64xf32, #tpu.memory_space<vmem_shared>>) dst(%arg9 : memref<128x64xf32, #tpu.memory_space<vmem>>)
      "tpu.region"() ({
        %run_scoped3A = tpu.sem_alloc : memref<!tpu.dma_semaphore, #tpu.memory_space<semaphore_mem>>
        %dma_start3A_46 = arith.constant 0 : i32
        %dma_start3A_47 = tpu.memref_slice %arg8[%scan3A_35, %dma_start3A_46] : memref<79x128xi32, #tpu.memory_space<vmem>> -> memref<1x128xi32, #tpu.memory_space<vmem>>
        %dma_start3A_48 = tpu.memref_squeeze %dma_start3A_47 : memref<1x128xi32, #tpu.memory_space<vmem>> -> memref<128xi32, #tpu.memory_space<vmem>>
        %dma_start3A_49 = arith.constant 0 : i32
        %dma_start3A_50 = arith.constant 0 : i32
        %dma_start3A_51 = tpu.memref_slice %arg12[%dma_start3A_49, %dma_start3A_50] : memref<10240x64xf32, #tpu.memory_space<vmem_shared>> -> memref<10240x64xf32, #tpu.memory_space<vmem_shared>>
        tpu.enqueue_indirect_dma source(%arg9 : memref<128x64xf32, #tpu.memory_space<vmem>>) target(%dma_start3A_51 : memref<10240x64xf32, #tpu.memory_space<vmem_shared>>) offsets(%dma_start3A_48 : memref<128xi32, #tpu.memory_space<vmem>>) semaphore(%run_scoped3A : memref<!tpu.dma_semaphore, #tpu.memory_space<semaphore_mem>>) {add = true}
        %dma_wait3A_52 = arith.constant 0 : i32
        %dma_wait3A_53 = tpu.memref_slice %arg8[%scan3A_35, %dma_wait3A_52] : memref<79x128xi32, #tpu.memory_space<vmem>> -> memref<1x128xi32, #tpu.memory_space<vmem>>
        %dma_wait3A_54 = tpu.memref_squeeze %dma_wait3A_53 : memref<1x128xi32, #tpu.memory_space<vmem>> -> memref<128xi32, #tpu.memory_space<vmem>>
        %dma_wait3A_55 = arith.constant 0 : i32
        %dma_wait3A_56 = arith.constant 0 : i32
        %dma_wait3A_57 = tpu.memref_slice %arg12[%dma_wait3A_55, %dma_wait3A_56] : memref<10240x64xf32, #tpu.memory_space<vmem_shared>> -> memref<10240x64xf32, #tpu.memory_space<vmem_shared>>
        tpu.wait_indirect_dma semaphore(%run_scoped3A : memref<!tpu.dma_semaphore, #tpu.memory_space<semaphore_mem>>) src(%arg9 : memref<128x64xf32, #tpu.memory_space<vmem>>) dst(%dma_wait3A_57 : memref<10240x64xf32, #tpu.memory_space<vmem_shared>>)
        tpu.yield
      }) : () -> ()
    }
    %scan3A_29 = arith.constant 79 : i32
    %barrier3A_30 = arith.constant 0 : index
    tpu.barrier barrier_id(%barrier3A_30)
    %mul3A_31 = arith.constant 640 : i32
    %mul3A_32 = arith.muli %arg1, %mul3A_31 : i32
    %mul3A_33 = arith.constant 640 : i32
    %mul3A_34 = arith.muli %arg1, %mul3A_33 : i32
    "tpu.region"() ({
      %run_scoped3A = tpu.sem_alloc : memref<!tpu.dma_semaphore, #tpu.memory_space<semaphore_mem>>
      %dma_start3A = arith.constant 0 : i32
      %dma_start3A_35 = tpu.memref_slice %arg6[%arg0, %mul3A_34, %dma_start3A] : memref<2x10240x64xf32, #tpu.memory_space<hbm>> -> memref<1x640x64xf32, #tpu.memory_space<hbm>>
      %dma_start3A_36 = tpu.memref_squeeze %dma_start3A_35 : memref<1x640x64xf32, #tpu.memory_space<hbm>> -> memref<640x64xf32, #tpu.memory_space<hbm>>
      %dma_start3A_37 = arith.constant 0 : i32
      %dma_start3A_38 = tpu.memref_slice %arg12[%mul3A_32, %dma_start3A_37] : memref<10240x64xf32, #tpu.memory_space<vmem_shared>> -> memref<640x64xf32, #tpu.memory_space<vmem_shared>>
      tpu.enqueue_dma source(%dma_start3A_38 : memref<640x64xf32, #tpu.memory_space<vmem_shared>>) target(%dma_start3A_36 : memref<640x64xf32, #tpu.memory_space<hbm>>) target_semaphore(%run_scoped3A : memref<!tpu.dma_semaphore, #tpu.memory_space<semaphore_mem>>)
      %dma_wait3A = arith.constant 0 : i32
      %dma_wait3A_39 = tpu.memref_slice %arg6[%arg0, %mul3A_34, %dma_wait3A] : memref<2x10240x64xf32, #tpu.memory_space<hbm>> -> memref<1x640x64xf32, #tpu.memory_space<hbm>>
      %dma_wait3A_40 = tpu.memref_squeeze %dma_wait3A_39 : memref<1x640x64xf32, #tpu.memory_space<hbm>> -> memref<640x64xf32, #tpu.memory_space<hbm>>
      %dma_wait3A_41 = arith.constant 0 : i32
      %dma_wait3A_42 = tpu.memref_slice %arg12[%mul3A_32, %dma_wait3A_41] : memref<10240x64xf32, #tpu.memory_space<vmem_shared>> -> memref<640x64xf32, #tpu.memory_space<vmem_shared>>
      tpu.wait_dma2 semaphore(%run_scoped3A : memref<!tpu.dma_semaphore, #tpu.memory_space<semaphore_mem>>) src(%dma_wait3A_42 : memref<640x64xf32, #tpu.memory_space<vmem_shared>>) dst(%dma_wait3A_40 : memref<640x64xf32, #tpu.memory_space<hbm>>)
      tpu.yield
    }) : () -> ()
    return
  }
}

#map = affine_map<(d0, d1) -> (0, 0)>
#map1 = affine_map<(d0, d1) -> (0, 0, 0)>
module attributes {stable_mosaic.version = 14 : i64} {
  func.func @body(%arg0: i32, %arg1: i32, %arg2: memref<10240x64xf32, #tpu.memory_space<hbm>>, %arg3: memref<32x79x128xi32, #tpu.memory_space<hbm>>, %arg4: memref<32x79x128xi32, #tpu.memory_space<hbm>>, %arg5: memref<128x64xf32, #tpu.memory_space<hbm>>, %arg6: memref<2x10240x64xf32, #tpu.memory_space<hbm>>, %arg7: memref<79x128xi32, #tpu.memory_space<vmem>>, %arg8: memref<79x128xi32, #tpu.memory_space<vmem>>, %arg9: memref<128x64xf32, #tpu.memory_space<vmem>>, %arg10: memref<128x64xf32, #tpu.memory_space<vmem>>, %arg11: memref<10240x64xf32, #tpu.memory_space<vmem_shared>>, %arg12: memref<10240x64xf32, #tpu.memory_space<vmem_shared>>, %arg13: memref<!tpu.dma_semaphore, #tpu.memory_space<semaphore_mem>>) attributes {dimension_semantics = [#tpu.dimension_semantics<core_parallel>, #tpu.dimension_semantics<subcore_parallel>], iteration_bounds = array<i64: 2, 16>, scalar_prefetch = 0 : i64, scratch_operands = 7 : i64, tpu.core_type = #tpu.core_type<sc_vector_subcore>, window_params = [{transform_indices = #map}, {transform_indices = #map1}, {transform_indices = #map1}, {transform_indices = #map}, {transform_indices = #map1}]} {
    %mul3A = arith.constant 16 : i32
    %mul3A_0 = arith.muli %arg0, %mul3A : i32
    %add3A = arith.addi %mul3A_0, %arg1 : i32
    "tpu.region"() ({
      %run_scoped3A = tpu.sem_alloc : memref<!tpu.dma_semaphore, #tpu.memory_space<semaphore_mem>>
      tpu.enqueue_dma source(%arg5 : memref<128x64xf32, #tpu.memory_space<hbm>>) target(%arg10 : memref<128x64xf32, #tpu.memory_space<vmem>>) target_semaphore(%run_scoped3A : memref<!tpu.dma_semaphore, #tpu.memory_space<semaphore_mem>>)
      tpu.wait_dma2 semaphore(%run_scoped3A : memref<!tpu.dma_semaphore, #tpu.memory_space<semaphore_mem>>) src(%arg5 : memref<128x64xf32, #tpu.memory_space<hbm>>) dst(%arg10 : memref<128x64xf32, #tpu.memory_space<vmem>>)
      tpu.yield
    }) : () -> ()
    %mul3A_1 = arith.constant 640 : i32
    %mul3A_2 = arith.muli %arg1, %mul3A_1 : i32
    %add3A_3 = arith.constant 0 : i32
    %add3A_4 = arith.addi %mul3A_2, %add3A_3 : i32
    "tpu.region"() ({
      %run_scoped3A = tpu.sem_alloc : memref<!tpu.dma_semaphore, #tpu.memory_space<semaphore_mem>>
      %dma_start3A = arith.constant 0 : i32
      %dma_start3A_35 = tpu.memref_slice %arg12[%add3A_4, %dma_start3A] : memref<10240x64xf32, #tpu.memory_space<vmem_shared>> -> memref<128x64xf32, #tpu.memory_space<vmem_shared>>
      %dma_start3A_36 = arith.constant 0 : i32
      %dma_start3A_37 = tpu.memref_slice %arg12[%add3A_4, %dma_start3A_36] : memref<10240x64xf32, #tpu.memory_space<vmem_shared>> -> memref<128x64xf32, #tpu.memory_space<vmem_shared>>
      tpu.enqueue_dma source(%arg10 : memref<128x64xf32, #tpu.memory_space<vmem>>) target(%dma_start3A_37 : memref<128x64xf32, #tpu.memory_space<vmem_shared>>) target_semaphore(%run_scoped3A : memref<!tpu.dma_semaphore, #tpu.memory_space<semaphore_mem>>)
      %dma_wait3A = arith.constant 0 : i32
      %dma_wait3A_38 = tpu.memref_slice %arg12[%add3A_4, %dma_wait3A] : memref<10240x64xf32, #tpu.memory_space<vmem_shared>> -> memref<128x64xf32, #tpu.memory_space<vmem_shared>>
      %dma_wait3A_39 = arith.constant 0 : i32
      %dma_wait3A_40 = tpu.memref_slice %arg12[%add3A_4, %dma_wait3A_39] : memref<10240x64xf32, #tpu.memory_space<vmem_shared>> -> memref<128x64xf32, #tpu.memory_space<vmem_shared>>
      tpu.wait_dma2 semaphore(%run_scoped3A : memref<!tpu.dma_semaphore, #tpu.memory_space<semaphore_mem>>) src(%arg10 : memref<128x64xf32, #tpu.memory_space<vmem>>) dst(%dma_wait3A_40 : memref<128x64xf32, #tpu.memory_space<vmem_shared>>)
      tpu.yield
    }) : () -> ()
    %mul3A_5 = arith.constant 640 : i32
    %mul3A_6 = arith.muli %arg1, %mul3A_5 : i32
    %add3A_7 = arith.constant 128 : i32
    %add3A_8 = arith.addi %mul3A_6, %add3A_7 : i32
    "tpu.region"() ({
      %run_scoped3A = tpu.sem_alloc : memref<!tpu.dma_semaphore, #tpu.memory_space<semaphore_mem>>
      %dma_start3A = arith.constant 0 : i32
      %dma_start3A_35 = tpu.memref_slice %arg12[%add3A_8, %dma_start3A] : memref<10240x64xf32, #tpu.memory_space<vmem_shared>> -> memref<128x64xf32, #tpu.memory_space<vmem_shared>>
      %dma_start3A_36 = arith.constant 0 : i32
      %dma_start3A_37 = tpu.memref_slice %arg12[%add3A_8, %dma_start3A_36] : memref<10240x64xf32, #tpu.memory_space<vmem_shared>> -> memref<128x64xf32, #tpu.memory_space<vmem_shared>>
      tpu.enqueue_dma source(%arg10 : memref<128x64xf32, #tpu.memory_space<vmem>>) target(%dma_start3A_37 : memref<128x64xf32, #tpu.memory_space<vmem_shared>>) target_semaphore(%run_scoped3A : memref<!tpu.dma_semaphore, #tpu.memory_space<semaphore_mem>>)
      %dma_wait3A = arith.constant 0 : i32
      %dma_wait3A_38 = tpu.memref_slice %arg12[%add3A_8, %dma_wait3A] : memref<10240x64xf32, #tpu.memory_space<vmem_shared>> -> memref<128x64xf32, #tpu.memory_space<vmem_shared>>
      %dma_wait3A_39 = arith.constant 0 : i32
      %dma_wait3A_40 = tpu.memref_slice %arg12[%add3A_8, %dma_wait3A_39] : memref<10240x64xf32, #tpu.memory_space<vmem_shared>> -> memref<128x64xf32, #tpu.memory_space<vmem_shared>>
      tpu.wait_dma2 semaphore(%run_scoped3A : memref<!tpu.dma_semaphore, #tpu.memory_space<semaphore_mem>>) src(%arg10 : memref<128x64xf32, #tpu.memory_space<vmem>>) dst(%dma_wait3A_40 : memref<128x64xf32, #tpu.memory_space<vmem_shared>>)
      tpu.yield
    }) : () -> ()
    %mul3A_9 = arith.constant 640 : i32
    %mul3A_10 = arith.muli %arg1, %mul3A_9 : i32
    %add3A_11 = arith.constant 256 : i32
    %add3A_12 = arith.addi %mul3A_10, %add3A_11 : i32
    "tpu.region"() ({
      %run_scoped3A = tpu.sem_alloc : memref<!tpu.dma_semaphore, #tpu.memory_space<semaphore_mem>>
      %dma_start3A = arith.constant 0 : i32
      %dma_start3A_35 = tpu.memref_slice %arg12[%add3A_12, %dma_start3A] : memref<10240x64xf32, #tpu.memory_space<vmem_shared>> -> memref<128x64xf32, #tpu.memory_space<vmem_shared>>
      %dma_start3A_36 = arith.constant 0 : i32
      %dma_start3A_37 = tpu.memref_slice %arg12[%add3A_12, %dma_start3A_36] : memref<10240x64xf32, #tpu.memory_space<vmem_shared>> -> memref<128x64xf32, #tpu.memory_space<vmem_shared>>
      tpu.enqueue_dma source(%arg10 : memref<128x64xf32, #tpu.memory_space<vmem>>) target(%dma_start3A_37 : memref<128x64xf32, #tpu.memory_space<vmem_shared>>) target_semaphore(%run_scoped3A : memref<!tpu.dma_semaphore, #tpu.memory_space<semaphore_mem>>)
      %dma_wait3A = arith.constant 0 : i32
      %dma_wait3A_38 = tpu.memref_slice %arg12[%add3A_12, %dma_wait3A] : memref<10240x64xf32, #tpu.memory_space<vmem_shared>> -> memref<128x64xf32, #tpu.memory_space<vmem_shared>>
      %dma_wait3A_39 = arith.constant 0 : i32
      %dma_wait3A_40 = tpu.memref_slice %arg12[%add3A_12, %dma_wait3A_39] : memref<10240x64xf32, #tpu.memory_space<vmem_shared>> -> memref<128x64xf32, #tpu.memory_space<vmem_shared>>
      tpu.wait_dma2 semaphore(%run_scoped3A : memref<!tpu.dma_semaphore, #tpu.memory_space<semaphore_mem>>) src(%arg10 : memref<128x64xf32, #tpu.memory_space<vmem>>) dst(%dma_wait3A_40 : memref<128x64xf32, #tpu.memory_space<vmem_shared>>)
      tpu.yield
    }) : () -> ()
    %mul3A_13 = arith.constant 640 : i32
    %mul3A_14 = arith.muli %arg1, %mul3A_13 : i32
    %add3A_15 = arith.constant 384 : i32
    %add3A_16 = arith.addi %mul3A_14, %add3A_15 : i32
    "tpu.region"() ({
      %run_scoped3A = tpu.sem_alloc : memref<!tpu.dma_semaphore, #tpu.memory_space<semaphore_mem>>
      %dma_start3A = arith.constant 0 : i32
      %dma_start3A_35 = tpu.memref_slice %arg12[%add3A_16, %dma_start3A] : memref<10240x64xf32, #tpu.memory_space<vmem_shared>> -> memref<128x64xf32, #tpu.memory_space<vmem_shared>>
      %dma_start3A_36 = arith.constant 0 : i32
      %dma_start3A_37 = tpu.memref_slice %arg12[%add3A_16, %dma_start3A_36] : memref<10240x64xf32, #tpu.memory_space<vmem_shared>> -> memref<128x64xf32, #tpu.memory_space<vmem_shared>>
      tpu.enqueue_dma source(%arg10 : memref<128x64xf32, #tpu.memory_space<vmem>>) target(%dma_start3A_37 : memref<128x64xf32, #tpu.memory_space<vmem_shared>>) target_semaphore(%run_scoped3A : memref<!tpu.dma_semaphore, #tpu.memory_space<semaphore_mem>>)
      %dma_wait3A = arith.constant 0 : i32
      %dma_wait3A_38 = tpu.memref_slice %arg12[%add3A_16, %dma_wait3A] : memref<10240x64xf32, #tpu.memory_space<vmem_shared>> -> memref<128x64xf32, #tpu.memory_space<vmem_shared>>
      %dma_wait3A_39 = arith.constant 0 : i32
      %dma_wait3A_40 = tpu.memref_slice %arg12[%add3A_16, %dma_wait3A_39] : memref<10240x64xf32, #tpu.memory_space<vmem_shared>> -> memref<128x64xf32, #tpu.memory_space<vmem_shared>>
      tpu.wait_dma2 semaphore(%run_scoped3A : memref<!tpu.dma_semaphore, #tpu.memory_space<semaphore_mem>>) src(%arg10 : memref<128x64xf32, #tpu.memory_space<vmem>>) dst(%dma_wait3A_40 : memref<128x64xf32, #tpu.memory_space<vmem_shared>>)
      tpu.yield
    }) : () -> ()
    %mul3A_17 = arith.constant 640 : i32
    %mul3A_18 = arith.muli %arg1, %mul3A_17 : i32
    %add3A_19 = arith.constant 512 : i32
    %add3A_20 = arith.addi %mul3A_18, %add3A_19 : i32
    "tpu.region"() ({
      %run_scoped3A = tpu.sem_alloc : memref<!tpu.dma_semaphore, #tpu.memory_space<semaphore_mem>>
      %dma_start3A = arith.constant 0 : i32
      %dma_start3A_35 = tpu.memref_slice %arg12[%add3A_20, %dma_start3A] : memref<10240x64xf32, #tpu.memory_space<vmem_shared>> -> memref<128x64xf32, #tpu.memory_space<vmem_shared>>
      %dma_start3A_36 = arith.constant 0 : i32
      %dma_start3A_37 = tpu.memref_slice %arg12[%add3A_20, %dma_start3A_36] : memref<10240x64xf32, #tpu.memory_space<vmem_shared>> -> memref<128x64xf32, #tpu.memory_space<vmem_shared>>
      tpu.enqueue_dma source(%arg10 : memref<128x64xf32, #tpu.memory_space<vmem>>) target(%dma_start3A_37 : memref<128x64xf32, #tpu.memory_space<vmem_shared>>) target_semaphore(%run_scoped3A : memref<!tpu.dma_semaphore, #tpu.memory_space<semaphore_mem>>)
      %dma_wait3A = arith.constant 0 : i32
      %dma_wait3A_38 = tpu.memref_slice %arg12[%add3A_20, %dma_wait3A] : memref<10240x64xf32, #tpu.memory_space<vmem_shared>> -> memref<128x64xf32, #tpu.memory_space<vmem_shared>>
      %dma_wait3A_39 = arith.constant 0 : i32
      %dma_wait3A_40 = tpu.memref_slice %arg12[%add3A_20, %dma_wait3A_39] : memref<10240x64xf32, #tpu.memory_space<vmem_shared>> -> memref<128x64xf32, #tpu.memory_space<vmem_shared>>
      tpu.wait_dma2 semaphore(%run_scoped3A : memref<!tpu.dma_semaphore, #tpu.memory_space<semaphore_mem>>) src(%arg10 : memref<128x64xf32, #tpu.memory_space<vmem>>) dst(%dma_wait3A_40 : memref<128x64xf32, #tpu.memory_space<vmem_shared>>)
      tpu.yield
    }) : () -> ()
    %mul3A_21 = arith.constant 640 : i32
    %mul3A_22 = arith.muli %arg1, %mul3A_21 : i32
    %mul3A_23 = arith.constant 640 : i32
    %mul3A_24 = arith.muli %arg1, %mul3A_23 : i32
    "tpu.region"() ({
      %run_scoped3A = tpu.sem_alloc : memref<!tpu.dma_semaphore, #tpu.memory_space<semaphore_mem>>
      %dma_start3A = arith.constant 0 : i32
      %dma_start3A_35 = tpu.memref_slice %arg11[%mul3A_24, %dma_start3A] : memref<10240x64xf32, #tpu.memory_space<vmem_shared>> -> memref<640x64xf32, #tpu.memory_space<vmem_shared>>
      %dma_start3A_36 = arith.constant 0 : i32
      %dma_start3A_37 = tpu.memref_slice %arg2[%mul3A_22, %dma_start3A_36] : memref<10240x64xf32, #tpu.memory_space<hbm>> -> memref<640x64xf32, #tpu.memory_space<hbm>>
      tpu.enqueue_dma source(%dma_start3A_37 : memref<640x64xf32, #tpu.memory_space<hbm>>) target(%dma_start3A_35 : memref<640x64xf32, #tpu.memory_space<vmem_shared>>) target_semaphore(%run_scoped3A : memref<!tpu.dma_semaphore, #tpu.memory_space<semaphore_mem>>)
      %dma_wait3A = arith.constant 0 : i32
      %dma_wait3A_38 = tpu.memref_slice %arg11[%mul3A_24, %dma_wait3A] : memref<10240x64xf32, #tpu.memory_space<vmem_shared>> -> memref<640x64xf32, #tpu.memory_space<vmem_shared>>
      %dma_wait3A_39 = arith.constant 0 : i32
      %dma_wait3A_40 = tpu.memref_slice %arg2[%mul3A_22, %dma_wait3A_39] : memref<10240x64xf32, #tpu.memory_space<hbm>> -> memref<640x64xf32, #tpu.memory_space<hbm>>
      tpu.wait_dma2 semaphore(%run_scoped3A : memref<!tpu.dma_semaphore, #tpu.memory_space<semaphore_mem>>) src(%dma_wait3A_40 : memref<640x64xf32, #tpu.memory_space<hbm>>) dst(%dma_wait3A_38 : memref<640x64xf32, #tpu.memory_space<vmem_shared>>)
      tpu.yield
    }) : () -> ()
    "tpu.region"() ({
      %run_scoped3A = tpu.sem_alloc : memref<!tpu.dma_semaphore, #tpu.memory_space<semaphore_mem>>
      %dma_start3A = arith.constant 0 : i32
      %dma_start3A_35 = arith.constant 0 : i32
      %dma_start3A_36 = tpu.memref_slice %arg3[%add3A, %dma_start3A, %dma_start3A_35] : memref<32x79x128xi32, #tpu.memory_space<hbm>> -> memref<1x79x128xi32, #tpu.memory_space<hbm>>
      %dma_start3A_37 = tpu.memref_squeeze %dma_start3A_36 : memref<1x79x128xi32, #tpu.memory_space<hbm>> -> memref<79x128xi32, #tpu.memory_space<hbm>>
      %dma_start3A_38 = arith.constant 0 : i32
      %dma_start3A_39 = arith.constant 0 : i32
      %dma_start3A_40 = tpu.memref_slice %arg3[%add3A, %dma_start3A_38, %dma_start3A_39] : memref<32x79x128xi32, #tpu.memory_space<hbm>> -> memref<1x79x128xi32, #tpu.memory_space<hbm>>
      %dma_start3A_41 = tpu.memref_squeeze %dma_start3A_40 : memref<1x79x128xi32, #tpu.memory_space<hbm>> -> memref<79x128xi32, #tpu.memory_space<hbm>>
      tpu.enqueue_dma source(%dma_start3A_41 : memref<79x128xi32, #tpu.memory_space<hbm>>) target(%arg7 : memref<79x128xi32, #tpu.memory_space<vmem>>) target_semaphore(%run_scoped3A : memref<!tpu.dma_semaphore, #tpu.memory_space<semaphore_mem>>)
      %dma_wait3A = arith.constant 0 : i32
      %dma_wait3A_42 = arith.constant 0 : i32
      %dma_wait3A_43 = tpu.memref_slice %arg3[%add3A, %dma_wait3A, %dma_wait3A_42] : memref<32x79x128xi32, #tpu.memory_space<hbm>> -> memref<1x79x128xi32, #tpu.memory_space<hbm>>
      %dma_wait3A_44 = tpu.memref_squeeze %dma_wait3A_43 : memref<1x79x128xi32, #tpu.memory_space<hbm>> -> memref<79x128xi32, #tpu.memory_space<hbm>>
      %dma_wait3A_45 = arith.constant 0 : i32
      %dma_wait3A_46 = arith.constant 0 : i32
      %dma_wait3A_47 = tpu.memref_slice %arg3[%add3A, %dma_wait3A_45, %dma_wait3A_46] : memref<32x79x128xi32, #tpu.memory_space<hbm>> -> memref<1x79x128xi32, #tpu.memory_space<hbm>>
      %dma_wait3A_48 = tpu.memref_squeeze %dma_wait3A_47 : memref<1x79x128xi32, #tpu.memory_space<hbm>> -> memref<79x128xi32, #tpu.memory_space<hbm>>
      tpu.wait_dma2 semaphore(%run_scoped3A : memref<!tpu.dma_semaphore, #tpu.memory_space<semaphore_mem>>) src(%dma_wait3A_48 : memref<79x128xi32, #tpu.memory_space<hbm>>) dst(%arg7 : memref<79x128xi32, #tpu.memory_space<vmem>>)
      tpu.yield
    }) : () -> ()
    "tpu.region"() ({
      %run_scoped3A = tpu.sem_alloc : memref<!tpu.dma_semaphore, #tpu.memory_space<semaphore_mem>>
      %dma_start3A = arith.constant 0 : i32
      %dma_start3A_35 = arith.constant 0 : i32
      %dma_start3A_36 = tpu.memref_slice %arg4[%add3A, %dma_start3A, %dma_start3A_35] : memref<32x79x128xi32, #tpu.memory_space<hbm>> -> memref<1x79x128xi32, #tpu.memory_space<hbm>>
      %dma_start3A_37 = tpu.memref_squeeze %dma_start3A_36 : memref<1x79x128xi32, #tpu.memory_space<hbm>> -> memref<79x128xi32, #tpu.memory_space<hbm>>
      %dma_start3A_38 = arith.constant 0 : i32
      %dma_start3A_39 = arith.constant 0 : i32
      %dma_start3A_40 = tpu.memref_slice %arg4[%add3A, %dma_start3A_38, %dma_start3A_39] : memref<32x79x128xi32, #tpu.memory_space<hbm>> -> memref<1x79x128xi32, #tpu.memory_space<hbm>>
      %dma_start3A_41 = tpu.memref_squeeze %dma_start3A_40 : memref<1x79x128xi32, #tpu.memory_space<hbm>> -> memref<79x128xi32, #tpu.memory_space<hbm>>
      tpu.enqueue_dma source(%dma_start3A_41 : memref<79x128xi32, #tpu.memory_space<hbm>>) target(%arg8 : memref<79x128xi32, #tpu.memory_space<vmem>>) target_semaphore(%run_scoped3A : memref<!tpu.dma_semaphore, #tpu.memory_space<semaphore_mem>>)
      %dma_wait3A = arith.constant 0 : i32
      %dma_wait3A_42 = arith.constant 0 : i32
      %dma_wait3A_43 = tpu.memref_slice %arg4[%add3A, %dma_wait3A, %dma_wait3A_42] : memref<32x79x128xi32, #tpu.memory_space<hbm>> -> memref<1x79x128xi32, #tpu.memory_space<hbm>>
      %dma_wait3A_44 = tpu.memref_squeeze %dma_wait3A_43 : memref<1x79x128xi32, #tpu.memory_space<hbm>> -> memref<79x128xi32, #tpu.memory_space<hbm>>
      %dma_wait3A_45 = arith.constant 0 : i32
      %dma_wait3A_46 = arith.constant 0 : i32
      %dma_wait3A_47 = tpu.memref_slice %arg4[%add3A, %dma_wait3A_45, %dma_wait3A_46] : memref<32x79x128xi32, #tpu.memory_space<hbm>> -> memref<1x79x128xi32, #tpu.memory_space<hbm>>
      %dma_wait3A_48 = tpu.memref_squeeze %dma_wait3A_47 : memref<1x79x128xi32, #tpu.memory_space<hbm>> -> memref<79x128xi32, #tpu.memory_space<hbm>>
      tpu.wait_dma2 semaphore(%run_scoped3A : memref<!tpu.dma_semaphore, #tpu.memory_space<semaphore_mem>>) src(%dma_wait3A_48 : memref<79x128xi32, #tpu.memory_space<hbm>>) dst(%arg8 : memref<79x128xi32, #tpu.memory_space<vmem>>)
      tpu.yield
    }) : () -> ()
    %barrier3A = arith.constant 0 : index
    tpu.barrier barrier_id(%barrier3A)
    %scan3A = arith.constant 0 : i32
    %scan3A_25 = arith.constant 0 : i32
    %scan3A_26 = arith.constant 79 : i32
    %scan3A_27 = arith.addi %scan3A_25, %scan3A_26 : i32
    %scan3A_28 = arith.constant 1 : i32
    scf.for %scan3A_35 = %scan3A_25 to %scan3A_27 step %scan3A_28  : i32 {
      %dma_start3A = arith.constant 0 : i32
      %dma_start3A_36 = tpu.memref_slice %arg7[%scan3A_35, %dma_start3A] : memref<79x128xi32, #tpu.memory_space<vmem>> -> memref<1x128xi32, #tpu.memory_space<vmem>>
      %dma_start3A_37 = tpu.memref_squeeze %dma_start3A_36 : memref<1x128xi32, #tpu.memory_space<vmem>> -> memref<128xi32, #tpu.memory_space<vmem>>
      %dma_start3A_38 = arith.constant 0 : i32
      %dma_start3A_39 = arith.constant 0 : i32
      %dma_start3A_40 = tpu.memref_slice %arg11[%dma_start3A_38, %dma_start3A_39] : memref<10240x64xf32, #tpu.memory_space<vmem_shared>> -> memref<10240x64xf32, #tpu.memory_space<vmem_shared>>
      tpu.enqueue_indirect_dma source(%dma_start3A_40 : memref<10240x64xf32, #tpu.memory_space<vmem_shared>>) target(%arg9 : memref<128x64xf32, #tpu.memory_space<vmem>>) offsets(%dma_start3A_37 : memref<128xi32, #tpu.memory_space<vmem>>) semaphore(%arg13 : memref<!tpu.dma_semaphore, #tpu.memory_space<semaphore_mem>>)
      %dma_wait3A = arith.constant 0 : i32
      %dma_wait3A_41 = tpu.memref_slice %arg7[%scan3A_35, %dma_wait3A] : memref<79x128xi32, #tpu.memory_space<vmem>> -> memref<1x128xi32, #tpu.memory_space<vmem>>
      %dma_wait3A_42 = tpu.memref_squeeze %dma_wait3A_41 : memref<1x128xi32, #tpu.memory_space<vmem>> -> memref<128xi32, #tpu.memory_space<vmem>>
      %dma_wait3A_43 = arith.constant 0 : i32
      %dma_wait3A_44 = arith.constant 0 : i32
      %dma_wait3A_45 = tpu.memref_slice %arg11[%dma_wait3A_43, %dma_wait3A_44] : memref<10240x64xf32, #tpu.memory_space<vmem_shared>> -> memref<10240x64xf32, #tpu.memory_space<vmem_shared>>
      tpu.wait_indirect_dma semaphore(%arg13 : memref<!tpu.dma_semaphore, #tpu.memory_space<semaphore_mem>>) src(%dma_wait3A_45 : memref<10240x64xf32, #tpu.memory_space<vmem_shared>>) dst(%arg9 : memref<128x64xf32, #tpu.memory_space<vmem>>)
      "tpu.region"() ({
        %run_scoped3A = tpu.sem_alloc : memref<!tpu.dma_semaphore, #tpu.memory_space<semaphore_mem>>
        %dma_start3A_46 = arith.constant 0 : i32
        %dma_start3A_47 = tpu.memref_slice %arg8[%scan3A_35, %dma_start3A_46] : memref<79x128xi32, #tpu.memory_space<vmem>> -> memref<1x128xi32, #tpu.memory_space<vmem>>
        %dma_start3A_48 = tpu.memref_squeeze %dma_start3A_47 : memref<1x128xi32, #tpu.memory_space<vmem>> -> memref<128xi32, #tpu.memory_space<vmem>>
        %dma_start3A_49 = arith.constant 0 : i32
        %dma_start3A_50 = arith.constant 0 : i32
        %dma_start3A_51 = tpu.memref_slice %arg12[%dma_start3A_49, %dma_start3A_50] : memref<10240x64xf32, #tpu.memory_space<vmem_shared>> -> memref<10240x64xf32, #tpu.memory_space<vmem_shared>>
        tpu.enqueue_indirect_dma source(%arg9 : memref<128x64xf32, #tpu.memory_space<vmem>>) target(%dma_start3A_51 : memref<10240x64xf32, #tpu.memory_space<vmem_shared>>) offsets(%dma_start3A_48 : memref<128xi32, #tpu.memory_space<vmem>>) semaphore(%run_scoped3A : memref<!tpu.dma_semaphore, #tpu.memory_space<semaphore_mem>>) {add = true}
        %dma_wait3A_52 = arith.constant 0 : i32
        %dma_wait3A_53 = tpu.memref_slice %arg8[%scan3A_35, %dma_wait3A_52] : memref<79x128xi32, #tpu.memory_space<vmem>> -> memref<1x128xi32, #tpu.memory_space<vmem>>
        %dma_wait3A_54 = tpu.memref_squeeze %dma_wait3A_53 : memref<1x128xi32, #tpu.memory_space<vmem>> -> memref<128xi32, #tpu.memory_space<vmem>>
        %dma_wait3A_55 = arith.constant 0 : i32
        %dma_wait3A_56 = arith.constant 0 : i32
        %dma_wait3A_57 = tpu.memref_slice %arg12[%dma_wait3A_55, %dma_wait3A_56] : memref<10240x64xf32, #tpu.memory_space<vmem_shared>> -> memref<10240x64xf32, #tpu.memory_space<vmem_shared>>
        tpu.wait_indirect_dma semaphore(%run_scoped3A : memref<!tpu.dma_semaphore, #tpu.memory_space<semaphore_mem>>) src(%arg9 : memref<128x64xf32, #tpu.memory_space<vmem>>) dst(%dma_wait3A_57 : memref<10240x64xf32, #tpu.memory_space<vmem_shared>>)
        tpu.yield
      }) : () -> ()
    }
    %scan3A_29 = arith.constant 79 : i32
    %barrier3A_30 = arith.constant 0 : index
    tpu.barrier barrier_id(%barrier3A_30)
    %mul3A_31 = arith.constant 640 : i32
    %mul3A_32 = arith.muli %arg1, %mul3A_31 : i32
    %mul3A_33 = arith.constant 640 : i32
    %mul3A_34 = arith.muli %arg1, %mul3A_33 : i32
    "tpu.region"() ({
      %run_scoped3A = tpu.sem_alloc : memref<!tpu.dma_semaphore, #tpu.memory_space<semaphore_mem>>
      %dma_start3A = arith.constant 0 : i32
      %dma_start3A_35 = tpu.memref_slice %arg6[%arg0, %mul3A_34, %dma_start3A] : memref<2x10240x64xf32, #tpu.memory_space<hbm>> -> memref<1x640x64xf32, #tpu.memory_space<hbm>>
      %dma_start3A_36 = tpu.memref_squeeze %dma_start3A_35 : memref<1x640x64xf32, #tpu.memory_space<hbm>> -> memref<640x64xf32, #tpu.memory_space<hbm>>
      %dma_start3A_37 = arith.constant 0 : i32
      %dma_start3A_38 = tpu.memref_slice %arg12[%mul3A_32, %dma_start3A_37] : memref<10240x64xf32, #tpu.memory_space<vmem_shared>> -> memref<640x64xf32, #tpu.memory_space<vmem_shared>>
      tpu.enqueue_dma source(%dma_start3A_38 : memref<640x64xf32, #tpu.memory_space<vmem_shared>>) target(%dma_start3A_36 : memref<640x64xf32, #tpu.memory_space<hbm>>) target_semaphore(%run_scoped3A : memref<!tpu.dma_semaphore, #tpu.memory_space<semaphore_mem>>)
      %dma_wait3A = arith.constant 0 : i32
      %dma_wait3A_39 = tpu.memref_slice %arg6[%arg0, %mul3A_34, %dma_wait3A] : memref<2x10240x64xf32, #tpu.memory_space<hbm>> -> memref<1x640x64xf32, #tpu.memory_space<hbm>>
      %dma_wait3A_40 = tpu.memref_squeeze %dma_wait3A_39 : memref<1x640x64xf32, #tpu.memory_space<hbm>> -> memref<640x64xf32, #tpu.memory_space<hbm>>
      %dma_wait3A_41 = arith.constant 0 : i32
      %dma_wait3A_42 = tpu.memref_slice %arg12[%mul3A_32, %dma_wait3A_41] : memref<10240x64xf32, #tpu.memory_space<vmem_shared>> -> memref<640x64xf32, #tpu.memory_space<vmem_shared>>
      tpu.wait_dma2 semaphore(%run_scoped3A : memref<!tpu.dma_semaphore, #tpu.memory_space<semaphore_mem>>) src(%dma_wait3A_42 : memref<640x64xf32, #tpu.memory_space<vmem_shared>>) dst(%dma_wait3A_40 : memref<640x64xf32, #tpu.memory_space<hbm>>)
      tpu.yield
    }) : () -> ()
    return
  }
}

module attributes {stable_mosaic.version = 14 : i64} {
  func.func @body(%arg0: i32, %arg1: memref<1280x128xf32, #tpu.memory_space<vmem>>, %arg2: memref<128x64xf32, #tpu.memory_space<vmem>>, %arg3: memref<2x1280x8xf32, #tpu.memory_space<vmem>>, %arg4: memref<1280x64xf32, #tpu.memory_space<vmem>>) attributes {dimension_semantics = [#tpu.dimension_semantics<arbitrary>], iteration_bounds = array<i64: 8>, scalar_prefetch = 0 : i64, scratch_operands = 0 : i64, tpu.core_type = #tpu.core_type<tc>, window_params = [{transform_indices = @transform_0, window_bounds = array<i64: 1280, 128>}, {pipeline_mode = #tpu.pipeline_mode<synchronous>, transform_indices = @transform_1, window_bounds = array<i64: 128, 64>}, {transform_indices = @transform_2, window_bounds = array<i64: 2, 1280, 8>}, {transform_indices = @transform_3, window_bounds = array<i64: 1280, 64>}]} {
    %get3A = arith.constant 0 : index
    %get3A_0 = arith.constant 0 : index
    %get3A_1 = vector.load %arg1[%get3A, %get3A_0] : memref<1280x128xf32, #tpu.memory_space<vmem>>, vector<1280x128xf32>
    %get3A_2 = arith.constant 0 : index
    %get3A_3 = arith.constant 0 : index
    %get3A_4 = vector.load %arg2[%get3A_2, %get3A_3] : memref<128x64xf32, #tpu.memory_space<vmem>>, vector<128x64xf32>
    %dot_general3A = arith.constant dense<0.000000e+00> : vector<1280x64xf32>
    %dot_general3A_5 = tpu.matmul %get3A_1, %get3A_4, %dot_general3A {dimension_numbers = #tpu.dot_dimension_numbers<[1], [0], [0], [1], [0, 0, 1, 1], [], []>, transpose_lhs_hint = false} : vector<1280x128xf32>, vector<128x64xf32>, vector<1280x64xf32> -> vector<1280x64xf32>
    %get3A_6 = arith.constant 0 : index
    %get3A_7 = arith.constant 0 : index
    %get3A_8 = arith.constant 0 : index
    %get3A_9 = vector.load %arg3[%get3A_6, %get3A_7, %get3A_8] : memref<2x1280x8xf32, #tpu.memory_space<vmem>>, vector<1x1280x1xf32>
    %get3A_10 = vector.shape_cast %get3A_9 : vector<1x1280x1xf32> to vector<1280x1xf32>
    %get3A_11 = arith.constant 1 : index
    %get3A_12 = arith.constant 0 : index
    %get3A_13 = arith.constant 0 : index
    %get3A_14 = vector.load %arg3[%get3A_11, %get3A_12, %get3A_13] : memref<2x1280x8xf32, #tpu.memory_space<vmem>>, vector<1x1280x1xf32>
    %get3A_15 = vector.shape_cast %get3A_14 : vector<1x1280x1xf32> to vector<1280x1xf32>
    %add3A = arith.addf %get3A_10, %get3A_15 : vector<1280x1xf32>
    %add3A_16 = arith.constant 1.000000e+00 : f32
    %add3A_17 = vector.broadcast %add3A_16 : f32 to vector<1280x1xf32>
    %add3A_18 = arith.addf %add3A, %add3A_17 : vector<1280x1xf32>
    %rsqrt3A = math.rsqrt %add3A_18 : vector<1280x1xf32>
    %mul3A = vector.broadcast %rsqrt3A : vector<1280x1xf32> to vector<1280x64xf32>
    %mul3A_19 = arith.mulf %mul3A, %dot_general3A_5 : vector<1280x64xf32>
    %swap3A = arith.constant 0 : index
    %swap3A_20 = arith.constant 0 : index
    %swap3A_21 = vector.load %arg4[%swap3A, %swap3A_20] : memref<1280x64xf32, #tpu.memory_space<vmem>>, vector<1280x64xf32>
    tpu.vector_store %arg4[%swap3A, %swap3A_20], %mul3A_19 {strides = array<i32>} : memref<1280x64xf32, #tpu.memory_space<vmem>>, vector<1280x64xf32>,
    return
  }
  func.func @transform_0(%arg0: i32) -> (i32, i32) {
    %c0_i32 = arith.constant 0 : i32
    %c0_i32_0 = arith.constant 0 : i32
    return %arg0, %c0_i32 : i32, i32
  }
  func.func @transform_1(%arg0: i32) -> (i32, i32) {
    %c0_i32 = arith.constant 0 : i32
    %c0_i32_0 = arith.constant 0 : i32
    %c0_i32_1 = arith.constant 0 : i32
    return %c0_i32, %c0_i32_0 : i32, i32
  }
  func.func @transform_2(%arg0: i32) -> (i32, i32, i32) {
    %c0_i32 = arith.constant 0 : i32
    %c0_i32_0 = arith.constant 0 : i32
    %c0_i32_1 = arith.constant 0 : i32
    return %c0_i32, %arg0, %c0_i32_0 : i32, i32, i32
  }
  func.func @transform_3(%arg0: i32) -> (i32, i32) {
    %c0_i32 = arith.constant 0 : i32
    %c0_i32_0 = arith.constant 0 : i32
    return %arg0, %c0_i32 : i32, i32
  }
}

module attributes {stable_mosaic.version = 14 : i64} {
  func.func @body(%arg0: i32, %arg1: memref<2x1280x64xf32, #tpu.memory_space<vmem>>, %arg2: memref<1280x64xf32, #tpu.memory_space<vmem>>, %arg3: memref<2x1280x8xf32, #tpu.memory_space<vmem>>, %arg4: memref<1x64xf32, #tpu.memory_space<vmem>>, %arg5: memref<64x64xf32, #tpu.memory_space<vmem>>, %arg6: memref<1280x64xf32, #tpu.memory_space<vmem>>) attributes {dimension_semantics = [#tpu.dimension_semantics<arbitrary>], iteration_bounds = array<i64: 8>, scalar_prefetch = 0 : i64, scratch_operands = 0 : i64, tpu.core_type = #tpu.core_type<tc>, window_params = [{transform_indices = @transform_0, window_bounds = array<i64: 2, 1280, 64>}, {transform_indices = @transform_1, window_bounds = array<i64: 1280, 64>}, {transform_indices = @transform_2, window_bounds = array<i64: 2, 1280, 8>}, {pipeline_mode = #tpu.pipeline_mode<synchronous>, transform_indices = @transform_3, window_bounds = array<i64: 1, 64>}, {pipeline_mode = #tpu.pipeline_mode<synchronous>, transform_indices = @transform_4, window_bounds = array<i64: 64, 64>}, {transform_indices = @transform_5, window_bounds = array<i64: 1280, 64>}]} {
    %get3A = arith.constant 0 : index
    %get3A_0 = arith.constant 0 : index
    %get3A_1 = arith.constant 0 : index
    %get3A_2 = vector.load %arg3[%get3A, %get3A_0, %get3A_1] : memref<2x1280x8xf32, #tpu.memory_space<vmem>>, vector<1x1280x1xf32>
    %get3A_3 = vector.shape_cast %get3A_2 : vector<1x1280x1xf32> to vector<1280x1xf32>
    %get3A_4 = arith.constant 1 : index
    %get3A_5 = arith.constant 0 : index
    %get3A_6 = arith.constant 0 : index
    %get3A_7 = vector.load %arg3[%get3A_4, %get3A_5, %get3A_6] : memref<2x1280x8xf32, #tpu.memory_space<vmem>>, vector<1x1280x1xf32>
    %get3A_8 = vector.shape_cast %get3A_7 : vector<1x1280x1xf32> to vector<1280x1xf32>
    %add3A = arith.addf %get3A_3, %get3A_8 : vector<1280x1xf32>
    %add3A_9 = arith.constant 1.000000e+00 : f32
    %add3A_10 = vector.broadcast %add3A_9 : f32 to vector<1280x1xf32>
    %add3A_11 = arith.addf %add3A, %add3A_10 : vector<1280x1xf32>
    %rsqrt3A = math.rsqrt %add3A_11 : vector<1280x1xf32>
    %get3A_12 = arith.constant 0 : index
    %get3A_13 = arith.constant 0 : index
    %get3A_14 = arith.constant 0 : index
    %get3A_15 = vector.load %arg1[%get3A_12, %get3A_13, %get3A_14] : memref<2x1280x64xf32, #tpu.memory_space<vmem>>, vector<1x1280x64xf32>
    %get3A_16 = vector.shape_cast %get3A_15 : vector<1x1280x64xf32> to vector<1280x64xf32>
    %get3A_17 = arith.constant 1 : index
    %get3A_18 = arith.constant 0 : index
    %get3A_19 = arith.constant 0 : index
    %get3A_20 = vector.load %arg1[%get3A_17, %get3A_18, %get3A_19] : memref<2x1280x64xf32, #tpu.memory_space<vmem>>, vector<1x1280x64xf32>
    %get3A_21 = vector.shape_cast %get3A_20 : vector<1x1280x64xf32> to vector<1280x64xf32>
    %add3A_22 = arith.addf %get3A_16, %get3A_21 : vector<1280x64xf32>
    %get3A_23 = arith.constant 0 : index
    %get3A_24 = arith.constant 0 : index
    %get3A_25 = vector.load %arg2[%get3A_23, %get3A_24] : memref<1280x64xf32, #tpu.memory_space<vmem>>, vector<1280x64xf32>
    %add3A_26 = arith.addf %add3A_22, %get3A_25 : vector<1280x64xf32>
    %mul3A = vector.broadcast %rsqrt3A : vector<1280x1xf32> to vector<1280x64xf32>
    %mul3A_27 = arith.mulf %mul3A, %add3A_26 : vector<1280x64xf32>
    %get3A_28 = arith.constant 0 : index
    %get3A_29 = arith.constant 0 : index
    %get3A_30 = vector.load %arg4[%get3A_28, %get3A_29] : memref<1x64xf32, #tpu.memory_space<vmem>>, vector<1x64xf32>
    %add3A_31 = vector.broadcast %get3A_30 : vector<1x64xf32> to vector<1280x64xf32>
    %add3A_32 = arith.addf %mul3A_27, %add3A_31 : vector<1280x64xf32>
    %max3A = arith.constant 0.000000e+00 : f32
    %max3A_33 = vector.broadcast %max3A : f32 to vector<1280x64xf32>
    %max3A_34 = arith.maximumf %add3A_32, %max3A_33 : vector<1280x64xf32>
    %get3A_35 = arith.constant 0 : index
    %get3A_36 = arith.constant 0 : index
    %get3A_37 = vector.load %arg5[%get3A_35, %get3A_36] : memref<64x64xf32, #tpu.memory_space<vmem>>, vector<64x64xf32>
    %dot_general3A = arith.constant dense<0.000000e+00> : vector<1280x64xf32>
    %dot_general3A_38 = tpu.matmul %max3A_34, %get3A_37, %dot_general3A {dimension_numbers = #tpu.dot_dimension_numbers<[1], [0], [0], [1], [0, 0, 1, 1], [], []>, transpose_lhs_hint = false} : vector<1280x64xf32>, vector<64x64xf32>, vector<1280x64xf32> -> vector<1280x64xf32>
    %mul3A_39 = vector.broadcast %rsqrt3A : vector<1280x1xf32> to vector<1280x64xf32>
    %mul3A_40 = arith.mulf %mul3A_39, %dot_general3A_38 : vector<1280x64xf32>
    %swap3A = arith.constant 0 : index
    %swap3A_41 = arith.constant 0 : index
    %swap3A_42 = vector.load %arg6[%swap3A, %swap3A_41] : memref<1280x64xf32, #tpu.memory_space<vmem>>, vector<1280x64xf32>
    tpu.vector_store %arg6[%swap3A, %swap3A_41], %mul3A_40 {strides = array<i32>} : memref<1280x64xf32, #tpu.memory_space<vmem>>, vector<1280x64xf32>,
    return
  }
  func.func @transform_0(%arg0: i32) -> (i32, i32, i32) {
    %c0_i32 = arith.constant 0 : i32
    %c0_i32_0 = arith.constant 0 : i32
    %c0_i32_1 = arith.constant 0 : i32
    return %c0_i32, %arg0, %c0_i32_0 : i32, i32, i32
  }
  func.func @transform_1(%arg0: i32) -> (i32, i32) {
    %c0_i32 = arith.constant 0 : i32
    %c0_i32_0 = arith.constant 0 : i32
    return %arg0, %c0_i32 : i32, i32
  }
  func.func @transform_2(%arg0: i32) -> (i32, i32, i32) {
    %c0_i32 = arith.constant 0 : i32
    %c0_i32_0 = arith.constant 0 : i32
    %c0_i32_1 = arith.constant 0 : i32
    return %c0_i32, %arg0, %c0_i32_0 : i32, i32, i32
  }
  func.func @transform_3(%arg0: i32) -> (i32, i32) {
    %c0_i32 = arith.constant 0 : i32
    %c0_i32_0 = arith.constant 0 : i32
    %c0_i32_1 = arith.constant 0 : i32
    return %c0_i32, %c0_i32_0 : i32, i32
  }
  func.func @transform_4(%arg0: i32) -> (i32, i32) {
    %c0_i32 = arith.constant 0 : i32
    %c0_i32_0 = arith.constant 0 : i32
    %c0_i32_1 = arith.constant 0 : i32
    return %c0_i32, %c0_i32_0 : i32, i32
  }
  func.func @transform_5(%arg0: i32) -> (i32, i32) {
    %c0_i32 = arith.constant 0 : i32
    %c0_i32_0 = arith.constant 0 : i32
    return %arg0, %c0_i32 : i32, i32
  }
}

module attributes {stable_mosaic.version = 14 : i64} {
  func.func @body(%arg0: i32, %arg1: memref<2x1280x64xf32, #tpu.memory_space<vmem>>, %arg2: memref<1280x64xf32, #tpu.memory_space<vmem>>, %arg3: memref<2x1280x8xf32, #tpu.memory_space<vmem>>, %arg4: memref<1x64xf32, #tpu.memory_space<vmem>>, %arg5: memref<64x8xf32, #tpu.memory_space<vmem>>, %arg6: memref<1x8xf32, #tpu.memory_space<vmem>>, %arg7: memref<1280x8xf32, #tpu.memory_space<vmem>>) attributes {dimension_semantics = [#tpu.dimension_semantics<arbitrary>], iteration_bounds = array<i64: 8>, scalar_prefetch = 0 : i64, scratch_operands = 0 : i64, tpu.core_type = #tpu.core_type<tc>, window_params = [{transform_indices = @transform_0, window_bounds = array<i64: 2, 1280, 64>}, {transform_indices = @transform_1, window_bounds = array<i64: 1280, 64>}, {transform_indices = @transform_2, window_bounds = array<i64: 2, 1280, 8>}, {pipeline_mode = #tpu.pipeline_mode<synchronous>, transform_indices = @transform_3, window_bounds = array<i64: 1, 64>}, {pipeline_mode = #tpu.pipeline_mode<synchronous>, transform_indices = @transform_4, window_bounds = array<i64: 64, 8>}, {pipeline_mode = #tpu.pipeline_mode<synchronous>, transform_indices = @transform_5, window_bounds = array<i64: 1, 8>}, {transform_indices = @transform_6, window_bounds = array<i64: 1280, 8>}]} {
    %get3A = arith.constant 0 : index
    %get3A_0 = arith.constant 0 : index
    %get3A_1 = arith.constant 0 : index
    %get3A_2 = vector.load %arg3[%get3A, %get3A_0, %get3A_1] : memref<2x1280x8xf32, #tpu.memory_space<vmem>>, vector<1x1280x1xf32>
    %get3A_3 = vector.shape_cast %get3A_2 : vector<1x1280x1xf32> to vector<1280x1xf32>
    %get3A_4 = arith.constant 1 : index
    %get3A_5 = arith.constant 0 : index
    %get3A_6 = arith.constant 0 : index
    %get3A_7 = vector.load %arg3[%get3A_4, %get3A_5, %get3A_6] : memref<2x1280x8xf32, #tpu.memory_space<vmem>>, vector<1x1280x1xf32>
    %get3A_8 = vector.shape_cast %get3A_7 : vector<1x1280x1xf32> to vector<1280x1xf32>
    %add3A = arith.addf %get3A_3, %get3A_8 : vector<1280x1xf32>
    %add3A_9 = arith.constant 1.000000e+00 : f32
    %add3A_10 = vector.broadcast %add3A_9 : f32 to vector<1280x1xf32>
    %add3A_11 = arith.addf %add3A, %add3A_10 : vector<1280x1xf32>
    %rsqrt3A = math.rsqrt %add3A_11 : vector<1280x1xf32>
    %get3A_12 = arith.constant 0 : index
    %get3A_13 = arith.constant 0 : index
    %get3A_14 = arith.constant 0 : index
    %get3A_15 = vector.load %arg1[%get3A_12, %get3A_13, %get3A_14] : memref<2x1280x64xf32, #tpu.memory_space<vmem>>, vector<1x1280x64xf32>
    %get3A_16 = vector.shape_cast %get3A_15 : vector<1x1280x64xf32> to vector<1280x64xf32>
    %get3A_17 = arith.constant 1 : index
    %get3A_18 = arith.constant 0 : index
    %get3A_19 = arith.constant 0 : index
    %get3A_20 = vector.load %arg1[%get3A_17, %get3A_18, %get3A_19] : memref<2x1280x64xf32, #tpu.memory_space<vmem>>, vector<1x1280x64xf32>
    %get3A_21 = vector.shape_cast %get3A_20 : vector<1x1280x64xf32> to vector<1280x64xf32>
    %add3A_22 = arith.addf %get3A_16, %get3A_21 : vector<1280x64xf32>
    %get3A_23 = arith.constant 0 : index
    %get3A_24 = arith.constant 0 : index
    %get3A_25 = vector.load %arg2[%get3A_23, %get3A_24] : memref<1280x64xf32, #tpu.memory_space<vmem>>, vector<1280x64xf32>
    %add3A_26 = arith.addf %add3A_22, %get3A_25 : vector<1280x64xf32>
    %mul3A = vector.broadcast %rsqrt3A : vector<1280x1xf32> to vector<1280x64xf32>
    %mul3A_27 = arith.mulf %mul3A, %add3A_26 : vector<1280x64xf32>
    %get3A_28 = arith.constant 0 : index
    %get3A_29 = arith.constant 0 : index
    %get3A_30 = vector.load %arg4[%get3A_28, %get3A_29] : memref<1x64xf32, #tpu.memory_space<vmem>>, vector<1x64xf32>
    %add3A_31 = vector.broadcast %get3A_30 : vector<1x64xf32> to vector<1280x64xf32>
    %add3A_32 = arith.addf %mul3A_27, %add3A_31 : vector<1280x64xf32>
    %max3A = arith.constant 0.000000e+00 : f32
    %max3A_33 = vector.broadcast %max3A : f32 to vector<1280x64xf32>
    %max3A_34 = arith.maximumf %add3A_32, %max3A_33 : vector<1280x64xf32>
    %get3A_35 = arith.constant 0 : index
    %get3A_36 = arith.constant 0 : index
    %get3A_37 = vector.load %arg5[%get3A_35, %get3A_36] : memref<64x8xf32, #tpu.memory_space<vmem>>, vector<64x8xf32>
    %dot_general3A = arith.constant dense<0.000000e+00> : vector<1280x8xf32>
    %dot_general3A_38 = tpu.matmul %max3A_34, %get3A_37, %dot_general3A {dimension_numbers = #tpu.dot_dimension_numbers<[1], [0], [0], [1], [0, 0, 1, 1], [], []>, transpose_lhs_hint = false} : vector<1280x64xf32>, vector<64x8xf32>, vector<1280x8xf32> -> vector<1280x8xf32>
    %get3A_39 = arith.constant 0 : index
    %get3A_40 = arith.constant 0 : index
    %get3A_41 = vector.load %arg6[%get3A_39, %get3A_40] : memref<1x8xf32, #tpu.memory_space<vmem>>, vector<1x8xf32>
    %add3A_42 = vector.broadcast %get3A_41 : vector<1x8xf32> to vector<1280x8xf32>
    %add3A_43 = arith.addf %dot_general3A_38, %add3A_42 : vector<1280x8xf32>
    %swap3A = arith.constant 0 : index
    %swap3A_44 = arith.constant 0 : index
    %swap3A_45 = vector.load %arg7[%swap3A, %swap3A_44] : memref<1280x8xf32, #tpu.memory_space<vmem>>, vector<1280x8xf32>
    tpu.vector_store %arg7[%swap3A, %swap3A_44], %add3A_43 {strides = array<i32>} : memref<1280x8xf32, #tpu.memory_space<vmem>>, vector<1280x8xf32>,
    return
  }
  func.func @transform_0(%arg0: i32) -> (i32, i32, i32) {
    %c0_i32 = arith.constant 0 : i32
    %c0_i32_0 = arith.constant 0 : i32
    %c0_i32_1 = arith.constant 0 : i32
    return %c0_i32, %arg0, %c0_i32_0 : i32, i32, i32
  }
  func.func @transform_1(%arg0: i32) -> (i32, i32) {
    %c0_i32 = arith.constant 0 : i32
    %c0_i32_0 = arith.constant 0 : i32
    return %arg0, %c0_i32 : i32, i32
  }
  func.func @transform_2(%arg0: i32) -> (i32, i32, i32) {
    %c0_i32 = arith.constant 0 : i32
    %c0_i32_0 = arith.constant 0 : i32
    %c0_i32_1 = arith.constant 0 : i32
    return %c0_i32, %arg0, %c0_i32_0 : i32, i32, i32
  }
  func.func @transform_3(%arg0: i32) -> (i32, i32) {
    %c0_i32 = arith.constant 0 : i32
    %c0_i32_0 = arith.constant 0 : i32
    %c0_i32_1 = arith.constant 0 : i32
    return %c0_i32, %c0_i32_0 : i32, i32
  }
  func.func @transform_4(%arg0: i32) -> (i32, i32) {
    %c0_i32 = arith.constant 0 : i32
    %c0_i32_0 = arith.constant 0 : i32
    %c0_i32_1 = arith.constant 0 : i32
    return %c0_i32, %c0_i32_0 : i32, i32
  }
  func.func @transform_5(%arg0: i32) -> (i32, i32) {
    %c0_i32 = arith.constant 0 : i32
    %c0_i32_0 = arith.constant 0 : i32
    %c0_i32_1 = arith.constant 0 : i32
    return %c0_i32, %c0_i32_0 : i32, i32
  }
  func.func @transform_6(%arg0: i32) -> (i32, i32) {
    %c0_i32 = arith.constant 0 : i32
    %c0_i32_0 = arith.constant 0 : i32
    return %arg0, %c0_i32 : i32, i32
  }
}

</mosaic_0001>

<sc_bundles>
// kernel: kernel.11.cloned.1.call-start
scs
__scs_entry_jumppad:
0x0: {  	(pc) =	sbr.rel $0x88, $3  }
0x1: {  	(tag) =	ssettag $0x0;
	lr =	simm.s32 $0x1  }
0x2: {  	[smem:$0x3F99] =	sst lr;
	_ =	strace $0xD0000000  }
0x3: {  	_ = 	snop  }
0x4: {  	_ = 	snop  }
0x5: {  	_ = 	snop  }
0x6: {  	_ = 	snop  }
0x7: {  	_ = 	snop  }
__scs_overlays_trampoline_lowered:
0x8: {  	[smem:$0x3FA8] =	sst s0  }
0x9: {  	[smem:$0x3FA9] =	sst s1  }
0xa: {  	[smem:$0x3FAA] =	sst s2  }
0xb: {  	[smem:$0x3FAB] =	sst s3  }
0xc: {  	[smem:$0x3FAC] =	sst s4  }
0xd: {  	[smem:$0x3FAD] =	sst s5  }
0xe: {  	[smem:$0x3FAE] =	sst s6  }
0xf: {  	[smem:$0x3FAF] =	sst s7  }
0x10: {  	[smem:$0x3FB0] =	sst s8  }
0x11: {  	[smem:$0x3FB1] =	sst s9;
	s0 =	simm.s32 @!p0 $0x0  }
0x12: {  	s1 =	sld [smem:$0x3F97];
	s0 =	simm.s32 @p0 $0x1  }
0x13: {  	[smem:$0x3FB2] =	sst s0;
	s0 =	simm.s32 @!p1 $0x0  }
0x14: {  	s2 =	sld [smem:$0x3F96];
	s0 =	simm.s32 @p1 $0x1  }
0x15: {  	[smem:$0x3FB3] =	sst s0;
	s0 =	simm.s32 @!p2 $0x0  }
0x16: {  	s3 =	sld [smem:$0x3FDB];
	s0 =	simm.s32 @p2 $0x1  }
0x17: {  	s4 =	simm.s32 $0x1BF5;
	[smem:$0x3FB5] =	sst s0  }
0x18: {  	s0 =	sld [smem:$0x3F98];
	_ =	swait.ge [sflag:s4], $0x0  }
0x19: {  	s7 =	sld [smem:$0x3F99]  }
0x1a: {  	s8 =	sadd.s32 $0xFFFFE003, lr  }
0x1b: {  	s9 =	sadd.s32 $0xFFFFFEF7, lr;
	s5 =	simm.s32 $0xFFFFFFFF;
	p2 =	slt.u32 s8, $0xFFFFF086  }
0x1c: {  	p1 =	slt.u32 s9, $0xF7A;
	s5 =	simm.s32 @!p2 $0x0  }
0x1d: {  	s5 =	simm.s32 @p1 $0x1;
	p0 =	seq.s32 s7, s2  }
0x1e: {  	s7 =	smul.u32 @!p0 $0xF7A, s2;
	p2 =	seq.s32 @!p0 s5, $0x0  }
0x1f: {  	s9 =	smul.u32 $0xF7A, s1;
	s8 =	simm.s32 @!p0 $0x1BF5;
	p2 =	por !p2, p0  }
0x20: {  	[sflag:s8] =	ssyncset.s32 @!p0 $0xFFFFF086;
	s6 =	sadd.s32 @!p0 s3, s7;
	s7 =	simm.s32 @!p0 $0x108  }
0x21: {  	s3 =	sadd.s32 s3, s9;
	s6 =	sadd.s32 @!p0 $0x88, s6;
	s7 =	simm.s32 @p2 $0x1082  }
0x22: {  	[simem:s7], [sflag:s8] =	dma.local @!p0 [hbm:s6], $0xF7A  }
0x23: {  	s9 =	sor.u32 $0xD0000000, s2;
	s6 =	simm.s32 $0x108;
	_ =	swait.ge @!p0 [sflag:s8], $0x0  }
0x24: {  	s3 =	sadd.s32 $0x88, s3;
	s6 =	simm.s32 @!p1 $0x1082;
	[sflag:s4] =	ssyncset.s32 $0xFFFFF086  }
0x25: {  	[simem:s6], [sflag:s4] =	dma.local [hbm:s3], $0xF7A  }
0x26: {  	[smem:$0x3F99] =	sst s1;
	(tag) =	ssettag s2;
	_ =	strace s9  }
0x27: {  	s1 =	sld [smem:$0x3FA9]  }
0x28: {  	s2 =	sld [smem:$0x3FAA]  }
0x29: {  	s4 =	sld [smem:$0x3FAC]  }
0x2a: {  	p0 =	seq.s32 s5, $0x0;
	s5 =	sld [smem:$0x3FAD]  }
0x2b: {  	s6 =	sld [smem:$0x3FAE]  }
0x2c: {  	s7 =	sld [smem:$0x3FAF]  }
0x2d: {  	s3 =	simm.s32 $0x108;
	s8 =	sld [smem:$0x3FB0]  }
0x2e: {  	s3 =	simm.s32 @!p0 $0x1082;
	s9 =	sld [smem:$0x3FB1]  }
0x2f: {  	lr =	sadd.s32 s0, s3;
	s0 =	sld [smem:$0x3FA8]  }
0x30: {  	s3 =	sld [smem:$0x3FAB]  }
0x31: {  	[smem:$0x3FB4] =	sst s10  }
0x32: {  	s10 =	sld [smem:$0x3FB2];
	_ =	sdelay $0x3  }
0x33: {  	p0 =	seq.s32 s10, $0x1;
	s10 =	sld [smem:$0x3FB4];
	_ =	sdelay $0x3  }
0x34: {  	[smem:$0x3FB4] =	sst s10  }
0x35: {  	s10 =	sld [smem:$0x3FB3];
	_ =	sdelay $0x3  }
0x36: {  	p1 =	seq.s32 s10, $0x1;
	s10 =	sld [smem:$0x3FB4];
	_ =	sdelay $0x3  }
0x37: {  	[smem:$0x3FB4] =	sst s10  }
0x38: {  	s10 =	sld [smem:$0x3FB5]  }
0x39: {  	_ = 	snop;
	(pc) =	sbr.ind lr, $3  }
0x3a: {  	_ = 	snop  }
0x3b: {  	_ = 	snop  }
0x3c: {  	p2 =	seq.s32 s10, $0x1;
	s10 =	sld [smem:$0x3FB4]  }
0x3d: {  	_ =	shalt  }
0x3e: {  	_ =	shalt  }
0x3f: {  	_ =	shalt  }
0x40: {  	_ =	shalt  }
0x41: {  	_ =	shalt  }
0x42: {  	_ =	shalt  }
0x43: {  	_ =	shalt  }
0x44: {  	_ =	shalt  }
0x45: {  	_ =	shalt  }
0x46: {  	_ =	shalt  }
0x47: {  	_ =	shalt  }
0x48: {  	_ =	shalt  }
0x49: {  	_ =	shalt  }
0x4a: {  	_ =	shalt  }
0x4b: {  	_ =	shalt  }
0x4c: {  	_ =	shalt  }
0x4d: {  	_ =	shalt  }
0x4e: {  	_ =	shalt  }
0x4f: {  	_ =	shalt  }
0x50: {  	_ =	shalt  }
0x51: {  	_ =	shalt  }
0x52: {  	_ =	shalt  }
0x53: {  	_ =	shalt  }
0x54: {  	_ =	shalt  }
0x55: {  	_ =	shalt  }
0x56: {  	_ =	shalt  }
0x57: {  	_ =	shalt  }
0x58: {  	_ =	shalt  }
0x59: {  	_ =	shalt  }
0x5a: {  	_ =	shalt  }
0x5b: {  	_ =	shalt  }
0x5c: {  	_ =	shalt  }
0x5d: {  	_ =	shalt  }
0x5e: {  	_ =	shalt  }
0x5f: {  	_ =	shalt  }
0x60: {  	_ =	shalt  }
0x61: {  	_ =	shalt  }
0x62: {  	_ =	shalt  }
0x63: {  	_ =	shalt  }
0x64: {  	_ =	shalt  }
0x65: {  	_ =	shalt  }
0x66: {  	_ =	shalt  }
0x67: {  	_ =	shalt  }
0x68: {  	_ =	shalt  }
0x69: {  	_ =	shalt  }
0x6a: {  	_ =	shalt  }
0x6b: {  	_ =	shalt  }
0x6c: {  	_ =	shalt  }
0x6d: {  	_ =	shalt  }
0x6e: {  	_ =	shalt  }
0x6f: {  	_ =	shalt  }
0x70: {  	_ =	shalt  }
0x71: {  	_ =	shalt  }
0x72: {  	_ =	shalt  }
0x73: {  	_ =	shalt  }
0x74: {  	_ =	shalt  }
0x75: {  	_ =	shalt  }
0x76: {  	_ =	shalt  }
0x77: {  	_ =	shalt  }
0x78: {  	_ =	shalt  }
0x79: {  	_ =	shalt  }
0x7a: {  	_ =	shalt  }
0x7b: {  	_ =	shalt  }
0x7c: {  	_ =	shalt  }
0x7d: {  	_ =	shalt  }
0x7e: {  	_ =	shalt  }
0x7f: {  	_ =	shalt  }
0x80: {  	_ =	shalt  }
0x81: {  	_ =	shalt  }
0x82: {  	_ =	shalt  }
0x83: {  	_ =	shalt  }
0x84: {  	_ =	shalt  }
0x85: {  	_ =	shalt  }
0x86: {  	_ =	shalt  }
0x87: {  	_ =	shalt  }
.Lfunc_end0:
.L_simem_size_0:
called_computation.1_lowered:
.L_overlay_start_0:
0x88: {  	s2 =	sld [smem:$0x3FD9]  }
0x89: {  	s3 =	sld [smem:$0x3FFE];
	_ =	sdelay $0x1  }
0x8a: {  	s1 =	srdreg.scid  }
0x8b: {  	s0 =	sand.u32 $0x1, s1  }
0x8c: {  	s17 =	sshll.u32 s0, $0xA;
	s2 =	sadd.s32 s3, s2  }
0x8d: {  	s2 =	sadd.s32 s2, s17  }
0x8e: {  	[smem:$0x3FC0] =	sst s2  }
0x8f: {  	_ = 	snop  }
0x90: {  	s2 =	sld [smem:$0x3FD0];
	(tm) =	ssettm $0x1  }
0x91: {  	s18 =	sld [smem:$0x3FFB];
	_ =	sdelay $0x3  }
0x92: {  	_ =	strace s18  }
0x93: {  	s3 =	sld [smem:$0x3FFC];
	_ =	sdelay $0x3  }
0x94: {  	_ =	strace s3  }
0x95: {  	s3 =	sld [smem:$0x3FFD];
	_ =	sdelay $0x3  }
0x96: {  	_ =	strace s3  }
0x97: {  	_ =	strace $0x8FFFFFFF  }
0x98: {  	s19 =	sld [smem:$0x3FDB];
	_ =	sdelay $0x1  }
0x99: {  	s4 =	simm.s32 $_scs_section_size  }
0x9a: {  	s5 =	simm.s32 $_size__tile_overlayer_lowered;
	s6 =	simm.s32 $_tile_overlayer_lowered  }
0x9b: {  	s22 =	simm.s32 $0x1BFF;
	s21 =	sshll.u32 s6, $0x1;
	s3 =	sadd.s32 s4, s19  }
0x9c: {  	s7 =	simm.s32 $0x0;
	s20 =	sshll.u32 s5, $0x1;
	s5 =	sadd.s32 s21, s3  }
0x9d: {  	[timem:s7], [sflag:s22] =	dma.local [hbm:s5], s20  }
0x9e: {  	_ =	swait.ge [sflag:s22], s20  }
0x9f: {  	s4 =	ssub.s32 $0x0, s20;
	[sflag:s22] =	ssyncset.done $0x0  }
0xa0: {  	[sflag:s22] =	ssyncadd.s32 s4;
	_ =	sdelay $0x1  }
0xa1: {  	s23 =	simm.s32 $0x1B8B  }
0xa2: {  	_ =	swait.ge [sflag:s23], $0x1  }
0xa3: {  	[sflag:s23] =	ssyncset.done $0x0  }
0xa4: {  	s25 =	simm.s32 $0x1B8E;
	s24 =	sld [smem:$0x3FFE];
	[sflag:s23] =	ssyncadd.s32 $0xFFFFFFFF  }
0xa5: {  	s26 =	simm.s32 $execute0_lowered;
	[smem:$0x3FD2] =	sst s25  }
0xa6: {  	s5 =	sshll.u32 s26, $0x1;
	_ =	strace $0x80000049;
	[dreg:$0x1] =	wrdreg $0xFFFFFFFF  }
0xa7: {  	s28 =	simm.s32 $_size_execute0_lowered;
	s3 =	sadd.s32 s3, s5;
	[dreg:$0x0] =	wrdreg $0x0  }
0xa8: {  	s5 =	sshll.u32 s28, $0x1;
	[dreg:$0x2] =	wrdreg s3  }
0xa9: {  	[dreg:$0x3] =	wrdreg s5  }
0xaa: {  	[dreg:$0x4] =	wrdreg $0xC0  }
0xab: {  	_ =	task [dreg:s7], $0x5FFFF  }
0xac: {  	[dreg:$0x1] =	wrdreg $0xFFFFFFFF  }
0xad: {  	[dreg:$0x0] =	wrdreg $0x60  }
0xae: {  	[dreg:$0x2] =	wrdreg s24  }
0xaf: {  	[dreg:$0x3] =	wrdreg s2  }
0xb0: {  	[dreg:$0x4] =	wrdreg $0x12F000  }
0xb1: {  	[dreg:$0x5] =	wrdreg $0x8F000  }
0xb2: {  	[dreg:$0x6] =	wrdreg $0x9  }
0xb3: {  	_ =	task.clear_ibuf [dreg:s7], $0x7FFFF;
	_ =	strace $0x90000049  }
0xb4: {  	s29 =	simm.s32 $0x9;
	_ =	strace $0x8000004B  }
0xb5: {  	_ =	swait.ge [sflag:s29], $0x1  }
0xb6: {  	[sflag:s29] =	ssyncadd.s32 $0xFFFFFFFF  }
0xb7: {  	_ =	strace $0x9000004B  }
0xb8: {  	_ =	sfence  }
0xb9: {  	s30 =	sld [smem:$0x0];
	_ =	sdelay $0x2  }
0xba: {  	s31 =	sshll.u32 s1, $0xD;
	s1 =	sshrl.u32 s1, $0x2  }
0xbb: {  	s3 =	sand.u32 $0x4000, s31;
	s1 =	sadd.s32 s1, s30  }
0xbc: {  	s0 =	sor.u32 s3, s0;
	s1 =	sshll.u32 s1, $0x11  }
0xbd: {  	s0 =	sor.u32 s1, s0  }
0xbe: {  	s0 =	sadd.s32 $0x8F2B, s0  }
0xbf: {  	[sflag:s0] =	ssyncadd.remote.s32 $0x1  }
0xc0: {  	_ =	sfence.sel $0xFFFF  }
0xc1: {  	[dreg:$0x0] =	wrdreg $0xFFFFFFFF;
	(pc) =	sbr.abs _section_cstart, $3  }
0xc2: {  	[dreg:$0x1] =	wrdreg $0xFFFFFFFF  }
0xc3: {  	_ =	task.clear_ibuf [dreg:s7], $0x2FFFF;
	_ =	strace $0x9FFFFFFF  }
0xc4: {  	(tm) =	ssettm $0x7FFFFFFF  }
0xc5: {  	_ =	shalt  }
tec
execute0_lowered:
.L_overlay_start_1:
0x0: {  	(tag) =	ssettag $0x1  }
0x1: {  	s6 =	rddreg [dreg:$0x0]  }
0x2: {  	s1 =	rddreg [dreg:$0x1]  }
0x3: {  	s3 =	rddreg [dreg:$0x2]  }
0x4: {  	s4 =	rddreg [dreg:$0x3];
	s5 =	srdreg.scid  }
0x5: {  	s0 =	rddreg [dreg:$0x4];
	s2 =	stileid.u32;
	s16 =	simm.s32 $0x6F00  }
0x6: {  	s17 =	simm.s32 $0x2;
	s20 =	simm.s32 $0x2780;
	s21 =	simm.s32 $0x80  }
0x7: {  	s22 =	simm.s32 $0x4F00;
	s23 =	simm.s32 $0x1;
	s25 =	simm.s32 $0x0  }
0x8: {  	s7 =	sand.u32 $0x1, s5;
	s5 =	simm.s32 $0x0;
	s11 =	smul.u32 $0xA000, s2  }
0x9: {  	s28 =	smul.u32 $0x28000, s2;
	s18 =	sshll.u32 s2, $0x6;
	s8 =	sshll.u32 s7, $0x4  }
0xa: {  	[smem:$0x7FF] =	sst s5;
	s9 =	smul.u32 $0xA0000, s7;
	s7 =	ssub.s32 $0x2, s7  }
0xb: {  	s18 =	sor.u32 $0x1C02, s18;
	s8 =	sor.u32 s2, s8;
	_ =	strace $0x8000004A  }
0xc: {  	s10 =	sshrl.u32 s11, $0x3;
	s30 =	sshrl.u32 s7, $0x1;
	s31 =	sshrl.u32 s28, $0x2  }
0xd: {  	s19 =	sadd.s32 s11, s4;
	s8 =	smul.u32 $0x4F0, s8;
	s12 =	sadd.s32 s10, s6  }
0xe: {  	s9 =	sadd.s32 s11, s9;
	s15 =	ssub.s32 s7, s30;
	s10 =	sadd.s32 s31, s3  }
0xf: {  	s19 =	sshrl.u32 s19, $0x3;
	s29 =	sshrl.u32 s9, $0x3;
	s7 =	sadd.s32 $0x2000, s10  }
0x10: {  	s9 =	sadd.s32 $0x6000, s10;
	s15 =	smax.u32 s15, $0x1;
	s13 =	sadd.s32 s8, s6  }
0x11: {  	s14 =	sadd.s32 s29, s6;
	s6 =	sadd.s32 s11, s3;
	s8 =	sadd.s32 $0x4000, s10  }
0x12: {  	s10 =	sadd.s32 $0x8000, s10;
	s11 =	sadd.s32 $0x70000, s12;
	s12 =	sadd.s32 $0x66200, s13  }
0x13: {  	s13 =	sadd.s32 $0x1C00, s13;
	s14 =	sadd.s32 $0x84000, s14;
	s24 =	sshrl.u32 s6, $0x3  }
.LBB2_1:
0x14: {  	[tilespmem:s16], [sflag:$0x2] =	stream.linear.gather [hbm4b:s1+s5], $0x2000, $0x38;
	[tilespmem:$0x1CF00] =	vst v63  }
0x15: {  	_ =	swait.ge [sflag:s17], $0x2000  }
0x16: {  	[sflag:s17] =	ssyncset.done $0x0  }
0x17: {  	[sflag:s17] =	ssyncadd.s32 $0xFFFFE000  }
0x18: {  	[spmem:s6] =	stream.linear.scatter [tilespmem:s16], [sflag:$0x2], $0x2000, $0x38;
	[tilespmem:$0x1CF00] =	vst v63  }
0x19: {  	_ =	swait.ge [sflag:s17], $0x2000  }
0x1a: {  	[sflag:s17] =	ssyncset.done $0x0  }
0x1b: {  	[sflag:s17] =	ssyncadd.s32 $0xFFFFE000  }
0x1c: {  	[spmem:s7] =	stream.linear.scatter [tilespmem:s16], [sflag:$0x2], $0x2000, $0x38;
	[tilespmem:$0x1CF00] =	vst v63  }
0x1d: {  	_ =	swait.ge [sflag:s17], $0x2000  }
0x1e: {  	[sflag:s17] =	ssyncset.done $0x0  }
0x1f: {  	[sflag:s17] =	ssyncadd.s32 $0xFFFFE000  }
0x20: {  	[spmem:s8] =	stream.linear.scatter [tilespmem:s16], [sflag:$0x2], $0x2000, $0x38;
	[tilespmem:$0x1CF00] =	vst v63  }
0x21: {  	_ =	swait.ge [sflag:s17], $0x2000  }
0x22: {  	[sflag:s17] =	ssyncset.done $0x0  }
0x23: {  	[sflag:s17] =	ssyncadd.s32 $0xFFFFE000  }
0x24: {  	[spmem:s9] =	stream.linear.scatter [tilespmem:s16], [sflag:$0x2], $0x2000, $0x38;
	[tilespmem:$0x1CF00] =	vst v63  }
0x25: {  	_ =	swait.ge [sflag:s17], $0x2000  }
0x26: {  	[sflag:s17] =	ssyncset.done $0x0  }
0x27: {  	[sflag:s17] =	ssyncadd.s32 $0xFFFFE000  }
0x28: {  	[spmem:s10] =	stream.linear.scatter [tilespmem:s16], [sflag:$0x2], $0x2000, $0x38;
	[tilespmem:$0x1CF00] =	vst v63  }
0x29: {  	_ =	swait.ge [sflag:s17], $0x2000  }
0x2a: {  	[sflag:s17] =	ssyncset.done $0x0  }
0x2b: {  	[sflag:s17] =	ssyncadd.s32 $0xFFFFE000  }
0x2c: {  	[spmem:s19], [sflag:s18] =	dma.local [hbm:s11], $0x1400  }
0x2d: {  	_ =	swait.ge [sflag:s17], $0x1400  }
0x2e: {  	[sflag:s17] =	ssyncset.done $0x0  }
0x2f: {  	[sflag:s17] =	ssyncadd.s32 $0xFFFFEC00  }
0x30: {  	[tilespmem:s5], [sflag:$0x2] =	stream.linear.gather [hbm4b:s12+s5], $0x2780, $0x38;
	[tilespmem:$0x1CF00] =	vst v63  }
0x31: {  	_ =	swait.ge [sflag:s17], $0x2780  }
0x32: {  	[sflag:s17] =	ssyncset.done $0x0  }
0x33: {  	[sflag:s17] =	ssyncadd.s32 $0xFFFFD880  }
0x34: {  	[tilespmem:s20], [sflag:$0x2] =	stream.linear.gather [hbm4b:s13+s5], $0x2780, $0x38;
	[tilespmem:$0x1CF00] =	vst v63  }
0x35: {  	_ =	swait.ge [sflag:s17], $0x2780  }
0x36: {  	[sflag:s17] =	ssyncset.done $0x0  }
0x37: {  	[sflag:s17] =	ssyncadd.s32 $0xFFFFD880  }
0x38: {  	s26 =	simm.s32 $0x0;
	[bflag:$0x0] =	sbarrier.arrive $0xFFFF  }
0x39: {  	[tilespmem:s22], [sflag:$0x1] =	stream.indirect.gather [spmem:s4], $0x40, s26, s21, $0xb8;
	[tilespmem:$0x1CF00] =	vst v63  }
0x3a: {  	_ =	swait.ge [sflag:s23], $0x2000  }
0x3b: {  	[sflag:s23] =	ssyncset.done $0x0  }
0x3c: {  	s31 =	simm.s32 $0x2780;
	[sflag:s23] =	ssyncadd.s32 $0xFFFFE000  }
0x3d: {  	[spmem:s3] =	stream.indirect.scatter.add.f32 [tilespmem:s22], [sflag:$0x2], $0x40, s31, s21, $0xb8;
	[tilespmem:$0x1CF00] =	vst v63  }
0x3e: {  	_ =	swait.ge [sflag:s17], $0x2000  }
0x3f: {  	s28 =	simm.s32 $0x400;
	s26 =	simm.s32 $0x200;
	[sflag:s17] =	ssyncset.done $0x0  }
.LBB2_2:
0x40: {  	s29 =	sshra.s32 s26, $0x2  }
0x41: {  	[sflag:s17] =	ssyncadd.s32 $0xFFFFE000;
	s26 =	smov.u32 s28;
	s30 =	sadd.s32 $0x200, s28  }
0x42: {  	[tilespmem:s22], [sflag:$0x1] =	stream.indirect.gather [spmem:s4], $0x40, s29, s21, $0xb8;
	[tilespmem:$0x1CF00] =	vst v63  }
0x43: {  	p0 =	sne.s32 s28, $0x9C00;
	_ =	swait.ge [sflag:s23], $0x2000  }
.Ltmp0:
0x44: {  	[sflag:s23] =	ssyncset.done $0x0;
	(pc) =	sbr.rel @p0 .LBB2_2-.Ltmp0, $4  }
0x45: {  	s28 =	sadd.s32 $0x2780, s29;
	[sflag:s23] =	ssyncadd.s32 $0xFFFFE000  }
0x46: {  	[spmem:s3] =	stream.indirect.scatter.add.f32 [tilespmem:s22], [sflag:$0x2], $0x40, s28, s21, $0xb8;
	[tilespmem:$0x1CF00] =	vst v63  }
0x47: {  	_ =	swait.ge [sflag:s17], $0x2000  }
0x48: {  	s28 =	smov.u32 s30;
	[sflag:s17] =	ssyncset.done $0x0  }
0x49: {  	s26 =	sshra.s32 s26, $0x2;
	[sflag:s17] =	ssyncadd.s32 $0xFFFFE000  }
0x4a: {  	[tilespmem:s22], [sflag:$0x1] =	stream.indirect.gather [spmem:s4], $0x40, s26, s21, $0xb8;
	[tilespmem:$0x1CF00] =	vst v63  }
0x4b: {  	_ =	swait.ge [sflag:s23], $0x2000  }
0x4c: {  	[sflag:s23] =	ssyncset.done $0x0  }
0x4d: {  	s26 =	sadd.s32 $0x2780, s26;
	[sflag:s23] =	ssyncadd.s32 $0xFFFFE000  }
0x4e: {  	[spmem:s3] =	stream.indirect.scatter.add.f32 [tilespmem:s22], [sflag:$0x2], $0x40, s26, s21, $0xb8;
	[tilespmem:$0x1CF00] =	vst v63  }
0x4f: {  	_ =	swait.ge [sflag:s17], $0x2000  }
0x50: {  	s25 =	sadd.s32 $0x1, s25;
	[sflag:s17] =	ssyncset.done $0x0  }
0x51: {  	p0 =	sne.s32 s25, s15;
	[sflag:s17] =	ssyncadd.s32 $0xFFFFE000  }
.Ltmp1:
0x52: {  	[bflag:$0x0] =	sbarrier.arrive $0xFFFF;
	(pc) =	sbr.rel @p0 .LBB2_1-.Ltmp1, $4  }
0x53: {  	[hbm:s14], [sflag:s18] =	dma.local [spmem:s24], $0x1400  }
0x54: {  	_ =	swait.ge [sflag:s17], $0x1400  }
0x55: {  	[sflag:s17] =	ssyncset.done $0x0  }
0x56: {  	[sflag:s17] =	ssyncadd.s32 $0xFFFFEC00  }
0x57: {  	_ =	sfence.sel $0x180000  }
0x58: {  	[bflag:$0x0] =	sbarrier.arrive $0xFFFF  }
0x59: {  	p0 =	sne.s32 s2, $0x0;
	_ =	strace $0x9000004A  }
0x5a: {  	s0 =	sadd.s32 @!p0 $0x100000, s0;
	[bflag:$0x2] =	sbarrier.arrive $0xFFFF  }
0x5b: {  	[sflag:s0] =	ssyncadd.tile.s32 @!p0 $0x1;
	_ =	shalt  }
.Lfunc_end2:
_tile_overlayer_lowered:
.L_overlay_start_2:
0x5c: {  	(tag) =	ssettag $0x2  }
0x5d: {  	s0 =	rddreg [dreg:$0x0];
	s2 =	stileid.u32  }
0x5e: {  	s1 =	rddreg [dreg:$0x1];
	p0 =	sne.s32 s2, $0x0  }
0x5f: {  	s3 =	rddreg [dreg:$0x2];
	[bflag:$0x3] =	sbarrier.arrive $0xFFFF;
	s2 =	simm.s32 @!p0 $0x1C02  }
0x60: {  	[timem:s3], [sflag:s2] =	dma.local @!p0 [hbm:s0], s1  }
0x61: {  	s0 =	simm.s32 @!p0 $0x2  }
0x62: {  	_ =	swait.ge @!p0 [sflag:s0], s1  }
0x63: {  	s1 =	ssub.s32 @!p0 $0x0, s1;
	[sflag:s0] =	ssyncset.done @!p0 $0x0  }
0x64: {  	[sflag:s0] =	ssyncadd.s32 @!p0 s1  }
0x65: {  	[bflag:$0x3] =	sbarrier.arrive $0xFFFF  }
0x66: {  	_ =	shalt  }

// kernel: kernel.14.cloned.1.call-start
scs
__scs_entry_jumppad:
0x0: {  	(pc) =	sbr.rel $0x88, $3  }
0x1: {  	(tag) =	ssettag $0x0;
	lr =	simm.s32 $0x1  }
0x2: {  	[smem:$0x3F99] =	sst lr;
	_ =	strace $0xD0000000  }
0x3: {  	_ = 	snop  }
0x4: {  	_ = 	snop  }
0x5: {  	_ = 	snop  }
0x6: {  	_ = 	snop  }
0x7: {  	_ = 	snop  }
__scs_overlays_trampoline_lowered:
0x8: {  	[smem:$0x3FA8] =	sst s0  }
0x9: {  	[smem:$0x3FA9] =	sst s1  }
0xa: {  	[smem:$0x3FAA] =	sst s2  }
0xb: {  	[smem:$0x3FAB] =	sst s3  }
0xc: {  	[smem:$0x3FAC] =	sst s4  }
0xd: {  	[smem:$0x3FAD] =	sst s5  }
0xe: {  	[smem:$0x3FAE] =	sst s6  }
0xf: {  	[smem:$0x3FAF] =	sst s7  }
0x10: {  	[smem:$0x3FB0] =	sst s8  }
0x11: {  	[smem:$0x3FB1] =	sst s9;
	s0 =	simm.s32 @!p0 $0x0  }
0x12: {  	s1 =	sld [smem:$0x3F97];
	s0 =	simm.s32 @p0 $0x1  }
0x13: {  	[smem:$0x3FB2] =	sst s0;
	s0 =	simm.s32 @!p1 $0x0  }
0x14: {  	s2 =	sld [smem:$0x3F96];
	s0 =	simm.s32 @p1 $0x1  }
0x15: {  	[smem:$0x3FB3] =	sst s0;
	s0 =	simm.s32 @!p2 $0x0  }
0x16: {  	s3 =	sld [smem:$0x3FDB];
	s0 =	simm.s32 @p2 $0x1  }
0x17: {  	s4 =	simm.s32 $0x1BF5;
	[smem:$0x3FB5] =	sst s0  }
0x18: {  	s0 =	sld [smem:$0x3F98];
	_ =	swait.ge [sflag:s4], $0x0  }
0x19: {  	s7 =	sld [smem:$0x3F99]  }
0x1a: {  	s8 =	sadd.s32 $0xFFFFE003, lr  }
0x1b: {  	s9 =	sadd.s32 $0xFFFFFEF7, lr;
	s5 =	simm.s32 $0xFFFFFFFF;
	p2 =	slt.u32 s8, $0xFFFFF086  }
0x1c: {  	p1 =	slt.u32 s9, $0xF7A;
	s5 =	simm.s32 @!p2 $0x0  }
0x1d: {  	s5 =	simm.s32 @p1 $0x1;
	p0 =	seq.s32 s7, s2  }
0x1e: {  	s7 =	smul.u32 @!p0 $0xF7A, s2;
	p2 =	seq.s32 @!p0 s5, $0x0  }
0x1f: {  	s9 =	smul.u32 $0xF7A, s1;
	s8 =	simm.s32 @!p0 $0x1BF5;
	p2 =	por !p2, p0  }
0x20: {  	[sflag:s8] =	ssyncset.s32 @!p0 $0xFFFFF086;
	s6 =	sadd.s32 @!p0 s3, s7;
	s7 =	simm.s32 @!p0 $0x108  }
0x21: {  	s3 =	sadd.s32 s3, s9;
	s6 =	sadd.s32 @!p0 $0x88, s6;
	s7 =	simm.s32 @p2 $0x1082  }
0x22: {  	[simem:s7], [sflag:s8] =	dma.local @!p0 [hbm:s6], $0xF7A  }
0x23: {  	s9 =	sor.u32 $0xD0000000, s2;
	s6 =	simm.s32 $0x108;
	_ =	swait.ge @!p0 [sflag:s8], $0x0  }
0x24: {  	s3 =	sadd.s32 $0x88, s3;
	s6 =	simm.s32 @!p1 $0x1082;
	[sflag:s4] =	ssyncset.s32 $0xFFFFF086  }
0x25: {  	[simem:s6], [sflag:s4] =	dma.local [hbm:s3], $0xF7A  }
0x26: {  	[smem:$0x3F99] =	sst s1;
	(tag) =	ssettag s2;
	_ =	strace s9  }
0x27: {  	s1 =	sld [smem:$0x3FA9]  }
0x28: {  	s2 =	sld [smem:$0x3FAA]  }
0x29: {  	s4 =	sld [smem:$0x3FAC]  }
0x2a: {  	p0 =	seq.s32 s5, $0x0;
	s5 =	sld [smem:$0x3FAD]  }
0x2b: {  	s6 =	sld [smem:$0x3FAE]  }
0x2c: {  	s7 =	sld [smem:$0x3FAF]  }
0x2d: {  	s3 =	simm.s32 $0x108;
	s8 =	sld [smem:$0x3FB0]  }
0x2e: {  	s3 =	simm.s32 @!p0 $0x1082;
	s9 =	sld [smem:$0x3FB1]  }
0x2f: {  	lr =	sadd.s32 s0, s3;
	s0 =	sld [smem:$0x3FA8]  }
0x30: {  	s3 =	sld [smem:$0x3FAB]  }
0x31: {  	[smem:$0x3FB4] =	sst s10  }
0x32: {  	s10 =	sld [smem:$0x3FB2];
	_ =	sdelay $0x3  }
0x33: {  	p0 =	seq.s32 s10, $0x1;
	s10 =	sld [smem:$0x3FB4];
	_ =	sdelay $0x3  }
0x34: {  	[smem:$0x3FB4] =	sst s10  }
0x35: {  	s10 =	sld [smem:$0x3FB3];
	_ =	sdelay $0x3  }
0x36: {  	p1 =	seq.s32 s10, $0x1;
	s10 =	sld [smem:$0x3FB4];
	_ =	sdelay $0x3  }
0x37: {  	[smem:$0x3FB4] =	sst s10  }
0x38: {  	s10 =	sld [smem:$0x3FB5]  }
0x39: {  	_ = 	snop;
	(pc) =	sbr.ind lr, $3  }
0x3a: {  	_ = 	snop  }
0x3b: {  	_ = 	snop  }
0x3c: {  	p2 =	seq.s32 s10, $0x1;
	s10 =	sld [smem:$0x3FB4]  }
0x3d: {  	_ =	shalt  }
0x3e: {  	_ =	shalt  }
0x3f: {  	_ =	shalt  }
0x40: {  	_ =	shalt  }
0x41: {  	_ =	shalt  }
0x42: {  	_ =	shalt  }
0x43: {  	_ =	shalt  }
0x44: {  	_ =	shalt  }
0x45: {  	_ =	shalt  }
0x46: {  	_ =	shalt  }
0x47: {  	_ =	shalt  }
0x48: {  	_ =	shalt  }
0x49: {  	_ =	shalt  }
0x4a: {  	_ =	shalt  }
0x4b: {  	_ =	shalt  }
0x4c: {  	_ =	shalt  }
0x4d: {  	_ =	shalt  }
0x4e: {  	_ =	shalt  }
0x4f: {  	_ =	shalt  }
0x50: {  	_ =	shalt  }
0x51: {  	_ =	shalt  }
0x52: {  	_ =	shalt  }
0x53: {  	_ =	shalt  }
0x54: {  	_ =	shalt  }
0x55: {  	_ =	shalt  }
0x56: {  	_ =	shalt  }
0x57: {  	_ =	shalt  }
0x58: {  	_ =	shalt  }
0x59: {  	_ =	shalt  }
0x5a: {  	_ =	shalt  }
0x5b: {  	_ =	shalt  }
0x5c: {  	_ =	shalt  }
0x5d: {  	_ =	shalt  }
0x5e: {  	_ =	shalt  }
0x5f: {  	_ =	shalt  }
0x60: {  	_ =	shalt  }
0x61: {  	_ =	shalt  }
0x62: {  	_ =	shalt  }
0x63: {  	_ =	shalt  }
0x64: {  	_ =	shalt  }
0x65: {  	_ =	shalt  }
0x66: {  	_ =	shalt  }
0x67: {  	_ =	shalt  }
0x68: {  	_ =	shalt  }
0x69: {  	_ =	shalt  }
0x6a: {  	_ =	shalt  }
0x6b: {  	_ =	shalt  }
0x6c: {  	_ =	shalt  }
0x6d: {  	_ =	shalt  }
0x6e: {  	_ =	shalt  }
0x6f: {  	_ =	shalt  }
0x70: {  	_ =	shalt  }
0x71: {  	_ =	shalt  }
0x72: {  	_ =	shalt  }
0x73: {  	_ =	shalt  }
0x74: {  	_ =	shalt  }
0x75: {  	_ =	shalt  }
0x76: {  	_ =	shalt  }
0x77: {  	_ =	shalt  }
0x78: {  	_ =	shalt  }
0x79: {  	_ =	shalt  }
0x7a: {  	_ =	shalt  }
0x7b: {  	_ =	shalt  }
0x7c: {  	_ =	shalt  }
0x7d: {  	_ =	shalt  }
0x7e: {  	_ =	shalt  }
0x7f: {  	_ =	shalt  }
0x80: {  	_ =	shalt  }
0x81: {  	_ =	shalt  }
0x82: {  	_ =	shalt  }
0x83: {  	_ =	shalt  }
0x84: {  	_ =	shalt  }
0x85: {  	_ =	shalt  }
0x86: {  	_ =	shalt  }
0x87: {  	_ =	shalt  }
.Lfunc_end0:
.L_simem_size_0:
called_computation.2_lowered:
.L_overlay_start_0:
0x88: {  	s2 =	sld [smem:$0x3FD9]  }
0x89: {  	s3 =	sld [smem:$0x3FFE];
	_ =	sdelay $0x1  }
0x8a: {  	s1 =	srdreg.scid  }
0x8b: {  	s0 =	sand.u32 $0x1, s1  }
0x8c: {  	s17 =	sshll.u32 s0, $0xA;
	s2 =	sadd.s32 s3, s2  }
0x8d: {  	s2 =	sadd.s32 s2, s17  }
0x8e: {  	[smem:$0x3FC0] =	sst s2  }
0x8f: {  	_ = 	snop  }
0x90: {  	s2 =	sld [smem:$0x3FD0];
	(tm) =	ssettm $0x1  }
0x91: {  	s18 =	sld [smem:$0x3FFB];
	_ =	sdelay $0x3  }
0x92: {  	_ =	strace s18  }
0x93: {  	s3 =	sld [smem:$0x3FFC];
	_ =	sdelay $0x3  }
0x94: {  	_ =	strace s3  }
0x95: {  	s3 =	sld [smem:$0x3FFD];
	_ =	sdelay $0x3  }
0x96: {  	_ =	strace s3  }
0x97: {  	_ =	strace $0x8FFFFFFF  }
0x98: {  	s19 =	sld [smem:$0x3FDB];
	_ =	sdelay $0x1  }
0x99: {  	s4 =	simm.s32 $_scs_section_size  }
0x9a: {  	s5 =	simm.s32 $_size__tile_overlayer_lowered;
	s6 =	simm.s32 $_tile_overlayer_lowered  }
0x9b: {  	s22 =	simm.s32 $0x1BFF;
	s21 =	sshll.u32 s6, $0x1;
	s3 =	sadd.s32 s4, s19  }
0x9c: {  	s7 =	simm.s32 $0x0;
	s20 =	sshll.u32 s5, $0x1;
	s5 =	sadd.s32 s21, s3  }
0x9d: {  	[timem:s7], [sflag:s22] =	dma.local [hbm:s5], s20  }
0x9e: {  	_ =	swait.ge [sflag:s22], s20  }
0x9f: {  	s4 =	ssub.s32 $0x0, s20;
	[sflag:s22] =	ssyncset.done $0x0  }
0xa0: {  	[sflag:s22] =	ssyncadd.s32 s4;
	_ =	sdelay $0x1  }
0xa1: {  	s23 =	simm.s32 $0x1B8B  }
0xa2: {  	_ =	swait.ge [sflag:s23], $0x1  }
0xa3: {  	[sflag:s23] =	ssyncset.done $0x0  }
0xa4: {  	s25 =	simm.s32 $0x1B8E;
	s24 =	sld [smem:$0x3FFE];
	[sflag:s23] =	ssyncadd.s32 $0xFFFFFFFF  }
0xa5: {  	s26 =	simm.s32 $execute0_lowered;
	[smem:$0x3FD2] =	sst s25  }
0xa6: {  	s5 =	sshll.u32 s26, $0x1;
	_ =	strace $0x8000004C;
	[dreg:$0x1] =	wrdreg $0xFFFFFFFF  }
0xa7: {  	s28 =	simm.s32 $_size_execute0_lowered;
	s3 =	sadd.s32 s3, s5;
	[dreg:$0x0] =	wrdreg $0x0  }
0xa8: {  	s5 =	sshll.u32 s28, $0x1;
	[dreg:$0x2] =	wrdreg s3  }
0xa9: {  	[dreg:$0x3] =	wrdreg s5  }
0xaa: {  	[dreg:$0x4] =	wrdreg $0xC0  }
0xab: {  	_ =	task [dreg:s7], $0x5FFFF  }
0xac: {  	[dreg:$0x1] =	wrdreg $0xFFFFFFFF  }
0xad: {  	[dreg:$0x0] =	wrdreg $0x60  }
0xae: {  	[dreg:$0x2] =	wrdreg s24  }
0xaf: {  	[dreg:$0x3] =	wrdreg s2  }
0xb0: {  	[dreg:$0x4] =	wrdreg $0x12F000  }
0xb1: {  	[dreg:$0x5] =	wrdreg $0x8F000  }
0xb2: {  	[dreg:$0x6] =	wrdreg $0x9  }
0xb3: {  	_ =	task.clear_ibuf [dreg:s7], $0x7FFFF;
	_ =	strace $0x9000004C  }
0xb4: {  	s29 =	simm.s32 $0x9;
	_ =	strace $0x8000004E  }
0xb5: {  	_ =	swait.ge [sflag:s29], $0x1  }
0xb6: {  	[sflag:s29] =	ssyncadd.s32 $0xFFFFFFFF  }
0xb7: {  	_ =	strace $0x9000004E  }
0xb8: {  	_ =	sfence  }
0xb9: {  	s30 =	sld [smem:$0x0];
	_ =	sdelay $0x2  }
0xba: {  	s31 =	sshll.u32 s1, $0xD;
	s1 =	sshrl.u32 s1, $0x2  }
0xbb: {  	s3 =	sand.u32 $0x4000, s31;
	s1 =	sadd.s32 s1, s30  }
0xbc: {  	s0 =	sor.u32 s3, s0;
	s1 =	sshll.u32 s1, $0x11  }
0xbd: {  	s0 =	sor.u32 s1, s0  }
0xbe: {  	s0 =	sadd.s32 $0x8F2B, s0  }
0xbf: {  	[sflag:s0] =	ssyncadd.remote.s32 $0x1  }
0xc0: {  	_ =	sfence.sel $0xFFFF  }
0xc1: {  	[dreg:$0x0] =	wrdreg $0xFFFFFFFF;
	(pc) =	sbr.abs _section_cstart, $3  }
0xc2: {  	[dreg:$0x1] =	wrdreg $0xFFFFFFFF  }
0xc3: {  	_ =	task.clear_ibuf [dreg:s7], $0x2FFFF;
	_ =	strace $0x9FFFFFFF  }
0xc4: {  	(tm) =	ssettm $0x7FFFFFFF  }
0xc5: {  	_ =	shalt  }
tec
execute0_lowered:
.L_overlay_start_1:
0x0: {  	(tag) =	ssettag $0x1  }
0x1: {  	s6 =	rddreg [dreg:$0x0]  }
0x2: {  	s1 =	rddreg [dreg:$0x1]  }
0x3: {  	s3 =	rddreg [dreg:$0x2]  }
0x4: {  	s4 =	rddreg [dreg:$0x3];
	s5 =	srdreg.scid  }
0x5: {  	s0 =	rddreg [dreg:$0x4];
	s2 =	stileid.u32;
	s16 =	simm.s32 $0x6F00  }
0x6: {  	s17 =	simm.s32 $0x2;
	s20 =	simm.s32 $0x2780;
	s21 =	simm.s32 $0x80  }
0x7: {  	s22 =	simm.s32 $0x4F00;
	s23 =	simm.s32 $0x1;
	s25 =	simm.s32 $0x0  }
0x8: {  	s7 =	sand.u32 $0x1, s5;
	s5 =	simm.s32 $0x0;
	s11 =	smul.u32 $0xA000, s2  }
0x9: {  	s28 =	smul.u32 $0x28000, s2;
	s18 =	sshll.u32 s2, $0x6;
	s8 =	sshll.u32 s7, $0x4  }
0xa: {  	[smem:$0x7FF] =	sst s5;
	s9 =	smul.u32 $0xA0000, s7;
	s7 =	ssub.s32 $0x2, s7  }
0xb: {  	s18 =	sor.u32 $0x1C02, s18;
	s8 =	sor.u32 s2, s8;
	_ =	strace $0x8000004D  }
0xc: {  	s10 =	sshrl.u32 s11, $0x3;
	s30 =	sshrl.u32 s7, $0x1;
	s31 =	sshrl.u32 s28, $0x2  }
0xd: {  	s19 =	sadd.s32 s11, s4;
	s8 =	smul.u32 $0x4F0, s8;
	s12 =	sadd.s32 s10, s6  }
0xe: {  	s9 =	sadd.s32 s11, s9;
	s15 =	ssub.s32 s7, s30;
	s10 =	sadd.s32 s31, s3  }
0xf: {  	s19 =	sshrl.u32 s19, $0x3;
	s29 =	sshrl.u32 s9, $0x3;
	s7 =	sadd.s32 $0x2000, s10  }
0x10: {  	s9 =	sadd.s32 $0x6000, s10;
	s15 =	smax.u32 s15, $0x1;
	s13 =	sadd.s32 s8, s6  }
0x11: {  	s14 =	sadd.s32 s29, s6;
	s6 =	sadd.s32 s11, s3;
	s8 =	sadd.s32 $0x4000, s10  }
0x12: {  	s10 =	sadd.s32 $0x8000, s10;
	s11 =	sadd.s32 $0x70000, s12;
	s12 =	sadd.s32 $0x66200, s13  }
0x13: {  	s13 =	sadd.s32 $0x1C00, s13;
	s14 =	sadd.s32 $0x84000, s14;
	s24 =	sshrl.u32 s6, $0x3  }
.LBB2_1:
0x14: {  	[tilespmem:s16], [sflag:$0x2] =	stream.linear.gather [hbm4b:s1+s5], $0x2000, $0x38;
	[tilespmem:$0x1CF00] =	vst v63  }
0x15: {  	_ =	swait.ge [sflag:s17], $0x2000  }
0x16: {  	[sflag:s17] =	ssyncset.done $0x0  }
0x17: {  	[sflag:s17] =	ssyncadd.s32 $0xFFFFE000  }
0x18: {  	[spmem:s6] =	stream.linear.scatter [tilespmem:s16], [sflag:$0x2], $0x2000, $0x38;
	[tilespmem:$0x1CF00] =	vst v63  }
0x19: {  	_ =	swait.ge [sflag:s17], $0x2000  }
0x1a: {  	[sflag:s17] =	ssyncset.done $0x0  }
0x1b: {  	[sflag:s17] =	ssyncadd.s32 $0xFFFFE000  }
0x1c: {  	[spmem:s7] =	stream.linear.scatter [tilespmem:s16], [sflag:$0x2], $0x2000, $0x38;
	[tilespmem:$0x1CF00] =	vst v63  }
0x1d: {  	_ =	swait.ge [sflag:s17], $0x2000  }
0x1e: {  	[sflag:s17] =	ssyncset.done $0x0  }
0x1f: {  	[sflag:s17] =	ssyncadd.s32 $0xFFFFE000  }
0x20: {  	[spmem:s8] =	stream.linear.scatter [tilespmem:s16], [sflag:$0x2], $0x2000, $0x38;
	[tilespmem:$0x1CF00] =	vst v63  }
0x21: {  	_ =	swait.ge [sflag:s17], $0x2000  }
0x22: {  	[sflag:s17] =	ssyncset.done $0x0  }
0x23: {  	[sflag:s17] =	ssyncadd.s32 $0xFFFFE000  }
0x24: {  	[spmem:s9] =	stream.linear.scatter [tilespmem:s16], [sflag:$0x2], $0x2000, $0x38;
	[tilespmem:$0x1CF00] =	vst v63  }
0x25: {  	_ =	swait.ge [sflag:s17], $0x2000  }
0x26: {  	[sflag:s17] =	ssyncset.done $0x0  }
0x27: {  	[sflag:s17] =	ssyncadd.s32 $0xFFFFE000  }
0x28: {  	[spmem:s10] =	stream.linear.scatter [tilespmem:s16], [sflag:$0x2], $0x2000, $0x38;
	[tilespmem:$0x1CF00] =	vst v63  }
0x29: {  	_ =	swait.ge [sflag:s17], $0x2000  }
0x2a: {  	[sflag:s17] =	ssyncset.done $0x0  }
0x2b: {  	[sflag:s17] =	ssyncadd.s32 $0xFFFFE000  }
0x2c: {  	[spmem:s19], [sflag:s18] =	dma.local [hbm:s11], $0x1400  }
0x2d: {  	_ =	swait.ge [sflag:s17], $0x1400  }
0x2e: {  	[sflag:s17] =	ssyncset.done $0x0  }
0x2f: {  	[sflag:s17] =	ssyncadd.s32 $0xFFFFEC00  }
0x30: {  	[tilespmem:s5], [sflag:$0x2] =	stream.linear.gather [hbm4b:s12+s5], $0x2780, $0x38;
	[tilespmem:$0x1CF00] =	vst v63  }
0x31: {  	_ =	swait.ge [sflag:s17], $0x2780  }
0x32: {  	[sflag:s17] =	ssyncset.done $0x0  }
0x33: {  	[sflag:s17] =	ssyncadd.s32 $0xFFFFD880  }
0x34: {  	[tilespmem:s20], [sflag:$0x2] =	stream.linear.gather [hbm4b:s13+s5], $0x2780, $0x38;
	[tilespmem:$0x1CF00] =	vst v63  }
0x35: {  	_ =	swait.ge [sflag:s17], $0x2780  }
0x36: {  	[sflag:s17] =	ssyncset.done $0x0  }
0x37: {  	[sflag:s17] =	ssyncadd.s32 $0xFFFFD880  }
0x38: {  	s26 =	simm.s32 $0x0;
	[bflag:$0x0] =	sbarrier.arrive $0xFFFF  }
0x39: {  	[tilespmem:s22], [sflag:$0x1] =	stream.indirect.gather [spmem:s4], $0x40, s26, s21, $0xb8;
	[tilespmem:$0x1CF00] =	vst v63  }
0x3a: {  	_ =	swait.ge [sflag:s23], $0x2000  }
0x3b: {  	[sflag:s23] =	ssyncset.done $0x0  }
0x3c: {  	s31 =	simm.s32 $0x2780;
	[sflag:s23] =	ssyncadd.s32 $0xFFFFE000  }
0x3d: {  	[spmem:s3] =	stream.indirect.scatter.add.f32 [tilespmem:s22], [sflag:$0x2], $0x40, s31, s21, $0xb8;
	[tilespmem:$0x1CF00] =	vst v63  }
0x3e: {  	_ =	swait.ge [sflag:s17], $0x2000  }
0x3f: {  	s28 =	simm.s32 $0x400;
	s26 =	simm.s32 $0x200;
	[sflag:s17] =	ssyncset.done $0x0  }
.LBB2_2:
0x40: {  	s29 =	sshra.s32 s26, $0x2  }
0x41: {  	[sflag:s17] =	ssyncadd.s32 $0xFFFFE000;
	s26 =	smov.u32 s28;
	s30 =	sadd.s32 $0x200, s28  }
0x42: {  	[tilespmem:s22], [sflag:$0x1] =	stream.indirect.gather [spmem:s4], $0x40, s29, s21, $0xb8;
	[tilespmem:$0x1CF00] =	vst v63  }
0x43: {  	p0 =	sne.s32 s28, $0x9C00;
	_ =	swait.ge [sflag:s23], $0x2000  }
.Ltmp0:
0x44: {  	[sflag:s23] =	ssyncset.done $0x0;
	(pc) =	sbr.rel @p0 .LBB2_2-.Ltmp0, $4  }
0x45: {  	s28 =	sadd.s32 $0x2780, s29;
	[sflag:s23] =	ssyncadd.s32 $0xFFFFE000  }
0x46: {  	[spmem:s3] =	stream.indirect.scatter.add.f32 [tilespmem:s22], [sflag:$0x2], $0x40, s28, s21, $0xb8;
	[tilespmem:$0x1CF00] =	vst v63  }
0x47: {  	_ =	swait.ge [sflag:s17], $0x2000  }
0x48: {  	s28 =	smov.u32 s30;
	[sflag:s17] =	ssyncset.done $0x0  }
0x49: {  	s26 =	sshra.s32 s26, $0x2;
	[sflag:s17] =	ssyncadd.s32 $0xFFFFE000  }
0x4a: {  	[tilespmem:s22], [sflag:$0x1] =	stream.indirect.gather [spmem:s4], $0x40, s26, s21, $0xb8;
	[tilespmem:$0x1CF00] =	vst v63  }
0x4b: {  	_ =	swait.ge [sflag:s23], $0x2000  }
0x4c: {  	[sflag:s23] =	ssyncset.done $0x0  }
0x4d: {  	s26 =	sadd.s32 $0x2780, s26;
	[sflag:s23] =	ssyncadd.s32 $0xFFFFE000  }
0x4e: {  	[spmem:s3] =	stream.indirect.scatter.add.f32 [tilespmem:s22], [sflag:$0x2], $0x40, s26, s21, $0xb8;
	[tilespmem:$0x1CF00] =	vst v63  }
0x4f: {  	_ =	swait.ge [sflag:s17], $0x2000  }
0x50: {  	s25 =	sadd.s32 $0x1, s25;
	[sflag:s17] =	ssyncset.done $0x0  }
0x51: {  	p0 =	sne.s32 s25, s15;
	[sflag:s17] =	ssyncadd.s32 $0xFFFFE000  }
.Ltmp1:
0x52: {  	[bflag:$0x0] =	sbarrier.arrive $0xFFFF;
	(pc) =	sbr.rel @p0 .LBB2_1-.Ltmp1, $4  }
0x53: {  	[hbm:s14], [sflag:s18] =	dma.local [spmem:s24], $0x1400  }
0x54: {  	_ =	swait.ge [sflag:s17], $0x1400  }
0x55: {  	[sflag:s17] =	ssyncset.done $0x0  }
0x56: {  	[sflag:s17] =	ssyncadd.s32 $0xFFFFEC00  }
0x57: {  	_ =	sfence.sel $0x180000  }
0x58: {  	[bflag:$0x0] =	sbarrier.arrive $0xFFFF  }
0x59: {  	p0 =	sne.s32 s2, $0x0;
	_ =	strace $0x9000004D  }
0x5a: {  	s0 =	sadd.s32 @!p0 $0x100000, s0;
	[bflag:$0x2] =	sbarrier.arrive $0xFFFF  }
0x5b: {  	[sflag:s0] =	ssyncadd.tile.s32 @!p0 $0x1;
	_ =	shalt  }
.Lfunc_end2:
_tile_overlayer_lowered:
.L_overlay_start_2:
0x5c: {  	(tag) =	ssettag $0x2  }
0x5d: {  	s0 =	rddreg [dreg:$0x0];
	s2 =	stileid.u32  }
0x5e: {  	s1 =	rddreg [dreg:$0x1];
	p0 =	sne.s32 s2, $0x0  }
0x5f: {  	s3 =	rddreg [dreg:$0x2];
	[bflag:$0x3] =	sbarrier.arrive $0xFFFF;
	s2 =	simm.s32 @!p0 $0x1C02  }
0x60: {  	[timem:s3], [sflag:s2] =	dma.local @!p0 [hbm:s0], s1  }
0x61: {  	s0 =	simm.s32 @!p0 $0x2  }
0x62: {  	_ =	swait.ge @!p0 [sflag:s0], s1  }
0x63: {  	s1 =	ssub.s32 @!p0 $0x0, s1;
	[sflag:s0] =	ssyncset.done @!p0 $0x0  }
0x64: {  	[sflag:s0] =	ssyncadd.s32 @!p0 s1  }
0x65: {  	[bflag:$0x3] =	sbarrier.arrive $0xFFFF  }
0x66: {  	_ =	shalt  }

// kernel: kernel.8.cloned.1.call-start
scs
__scs_entry_jumppad:
0x0: {  	(pc) =	sbr.rel $0x88, $3  }
0x1: {  	(tag) =	ssettag $0x0;
	lr =	simm.s32 $0x1  }
0x2: {  	[smem:$0x3F99] =	sst lr;
	_ =	strace $0xD0000000  }
0x3: {  	_ = 	snop  }
0x4: {  	_ = 	snop  }
0x5: {  	_ = 	snop  }
0x6: {  	_ = 	snop  }
0x7: {  	_ = 	snop  }
__scs_overlays_trampoline_lowered:
0x8: {  	[smem:$0x3FA8] =	sst s0  }
0x9: {  	[smem:$0x3FA9] =	sst s1  }
0xa: {  	[smem:$0x3FAA] =	sst s2  }
0xb: {  	[smem:$0x3FAB] =	sst s3  }
0xc: {  	[smem:$0x3FAC] =	sst s4  }
0xd: {  	[smem:$0x3FAD] =	sst s5  }
0xe: {  	[smem:$0x3FAE] =	sst s6  }
0xf: {  	[smem:$0x3FAF] =	sst s7  }
0x10: {  	[smem:$0x3FB0] =	sst s8  }
0x11: {  	[smem:$0x3FB1] =	sst s9;
	s0 =	simm.s32 @!p0 $0x0  }
0x12: {  	s1 =	sld [smem:$0x3F97];
	s0 =	simm.s32 @p0 $0x1  }
0x13: {  	[smem:$0x3FB2] =	sst s0;
	s0 =	simm.s32 @!p1 $0x0  }
0x14: {  	s2 =	sld [smem:$0x3F96];
	s0 =	simm.s32 @p1 $0x1  }
0x15: {  	[smem:$0x3FB3] =	sst s0;
	s0 =	simm.s32 @!p2 $0x0  }
0x16: {  	s3 =	sld [smem:$0x3FDB];
	s0 =	simm.s32 @p2 $0x1  }
0x17: {  	s4 =	simm.s32 $0x1BF5;
	[smem:$0x3FB5] =	sst s0  }
0x18: {  	s0 =	sld [smem:$0x3F98];
	_ =	swait.ge [sflag:s4], $0x0  }
0x19: {  	s7 =	sld [smem:$0x3F99]  }
0x1a: {  	s8 =	sadd.s32 $0xFFFFE003, lr  }
0x1b: {  	s9 =	sadd.s32 $0xFFFFFEF7, lr;
	s5 =	simm.s32 $0xFFFFFFFF;
	p2 =	slt.u32 s8, $0xFFFFF086  }
0x1c: {  	p1 =	slt.u32 s9, $0xF7A;
	s5 =	simm.s32 @!p2 $0x0  }
0x1d: {  	s5 =	simm.s32 @p1 $0x1;
	p0 =	seq.s32 s7, s2  }
0x1e: {  	s7 =	smul.u32 @!p0 $0xF7A, s2;
	p2 =	seq.s32 @!p0 s5, $0x0  }
0x1f: {  	s9 =	smul.u32 $0xF7A, s1;
	s8 =	simm.s32 @!p0 $0x1BF5;
	p2 =	por !p2, p0  }
0x20: {  	[sflag:s8] =	ssyncset.s32 @!p0 $0xFFFFF086;
	s6 =	sadd.s32 @!p0 s3, s7;
	s7 =	simm.s32 @!p0 $0x108  }
0x21: {  	s3 =	sadd.s32 s3, s9;
	s6 =	sadd.s32 @!p0 $0x88, s6;
	s7 =	simm.s32 @p2 $0x1082  }
0x22: {  	[simem:s7], [sflag:s8] =	dma.local @!p0 [hbm:s6], $0xF7A  }
0x23: {  	s9 =	sor.u32 $0xD0000000, s2;
	s6 =	simm.s32 $0x108;
	_ =	swait.ge @!p0 [sflag:s8], $0x0  }
0x24: {  	s3 =	sadd.s32 $0x88, s3;
	s6 =	simm.s32 @!p1 $0x1082;
	[sflag:s4] =	ssyncset.s32 $0xFFFFF086  }
0x25: {  	[simem:s6], [sflag:s4] =	dma.local [hbm:s3], $0xF7A  }
0x26: {  	[smem:$0x3F99] =	sst s1;
	(tag) =	ssettag s2;
	_ =	strace s9  }
0x27: {  	s1 =	sld [smem:$0x3FA9]  }
0x28: {  	s2 =	sld [smem:$0x3FAA]  }
0x29: {  	s4 =	sld [smem:$0x3FAC]  }
0x2a: {  	p0 =	seq.s32 s5, $0x0;
	s5 =	sld [smem:$0x3FAD]  }
0x2b: {  	s6 =	sld [smem:$0x3FAE]  }
0x2c: {  	s7 =	sld [smem:$0x3FAF]  }
0x2d: {  	s3 =	simm.s32 $0x108;
	s8 =	sld [smem:$0x3FB0]  }
0x2e: {  	s3 =	simm.s32 @!p0 $0x1082;
	s9 =	sld [smem:$0x3FB1]  }
0x2f: {  	lr =	sadd.s32 s0, s3;
	s0 =	sld [smem:$0x3FA8]  }
0x30: {  	s3 =	sld [smem:$0x3FAB]  }
0x31: {  	[smem:$0x3FB4] =	sst s10  }
0x32: {  	s10 =	sld [smem:$0x3FB2];
	_ =	sdelay $0x3  }
0x33: {  	p0 =	seq.s32 s10, $0x1;
	s10 =	sld [smem:$0x3FB4];
	_ =	sdelay $0x3  }
0x34: {  	[smem:$0x3FB4] =	sst s10  }
0x35: {  	s10 =	sld [smem:$0x3FB3];
	_ =	sdelay $0x3  }
0x36: {  	p1 =	seq.s32 s10, $0x1;
	s10 =	sld [smem:$0x3FB4];
	_ =	sdelay $0x3  }
0x37: {  	[smem:$0x3FB4] =	sst s10  }
0x38: {  	s10 =	sld [smem:$0x3FB5]  }
0x39: {  	_ = 	snop;
	(pc) =	sbr.ind lr, $3  }
0x3a: {  	_ = 	snop  }
0x3b: {  	_ = 	snop  }
0x3c: {  	p2 =	seq.s32 s10, $0x1;
	s10 =	sld [smem:$0x3FB4]  }
0x3d: {  	_ =	shalt  }
0x3e: {  	_ =	shalt  }
0x3f: {  	_ =	shalt  }
0x40: {  	_ =	shalt  }
0x41: {  	_ =	shalt  }
0x42: {  	_ =	shalt  }
0x43: {  	_ =	shalt  }
0x44: {  	_ =	shalt  }
0x45: {  	_ =	shalt  }
0x46: {  	_ =	shalt  }
0x47: {  	_ =	shalt  }
0x48: {  	_ =	shalt  }
0x49: {  	_ =	shalt  }
0x4a: {  	_ =	shalt  }
0x4b: {  	_ =	shalt  }
0x4c: {  	_ =	shalt  }
0x4d: {  	_ =	shalt  }
0x4e: {  	_ =	shalt  }
0x4f: {  	_ =	shalt  }
0x50: {  	_ =	shalt  }
0x51: {  	_ =	shalt  }
0x52: {  	_ =	shalt  }
0x53: {  	_ =	shalt  }
0x54: {  	_ =	shalt  }
0x55: {  	_ =	shalt  }
0x56: {  	_ =	shalt  }
0x57: {  	_ =	shalt  }
0x58: {  	_ =	shalt  }
0x59: {  	_ =	shalt  }
0x5a: {  	_ =	shalt  }
0x5b: {  	_ =	shalt  }
0x5c: {  	_ =	shalt  }
0x5d: {  	_ =	shalt  }
0x5e: {  	_ =	shalt  }
0x5f: {  	_ =	shalt  }
0x60: {  	_ =	shalt  }
0x61: {  	_ =	shalt  }
0x62: {  	_ =	shalt  }
0x63: {  	_ =	shalt  }
0x64: {  	_ =	shalt  }
0x65: {  	_ =	shalt  }
0x66: {  	_ =	shalt  }
0x67: {  	_ =	shalt  }
0x68: {  	_ =	shalt  }
0x69: {  	_ =	shalt  }
0x6a: {  	_ =	shalt  }
0x6b: {  	_ =	shalt  }
0x6c: {  	_ =	shalt  }
0x6d: {  	_ =	shalt  }
0x6e: {  	_ =	shalt  }
0x6f: {  	_ =	shalt  }
0x70: {  	_ =	shalt  }
0x71: {  	_ =	shalt  }
0x72: {  	_ =	shalt  }
0x73: {  	_ =	shalt  }
0x74: {  	_ =	shalt  }
0x75: {  	_ =	shalt  }
0x76: {  	_ =	shalt  }
0x77: {  	_ =	shalt  }
0x78: {  	_ =	shalt  }
0x79: {  	_ =	shalt  }
0x7a: {  	_ =	shalt  }
0x7b: {  	_ =	shalt  }
0x7c: {  	_ =	shalt  }
0x7d: {  	_ =	shalt  }
0x7e: {  	_ =	shalt  }
0x7f: {  	_ =	shalt  }
0x80: {  	_ =	shalt  }
0x81: {  	_ =	shalt  }
0x82: {  	_ =	shalt  }
0x83: {  	_ =	shalt  }
0x84: {  	_ =	shalt  }
0x85: {  	_ =	shalt  }
0x86: {  	_ =	shalt  }
0x87: {  	_ =	shalt  }
.Lfunc_end0:
.L_simem_size_0:
called_computation_lowered:
.L_overlay_start_0:
0x88: {  	s2 =	sld [smem:$0x3FD9]  }
0x89: {  	s3 =	sld [smem:$0x3FFE];
	_ =	sdelay $0x1  }
0x8a: {  	s1 =	srdreg.scid  }
0x8b: {  	s0 =	sand.u32 $0x1, s1  }
0x8c: {  	s17 =	sshll.u32 s0, $0xA;
	s2 =	sadd.s32 s3, s2  }
0x8d: {  	s2 =	sadd.s32 s2, s17  }
0x8e: {  	[smem:$0x3FC0] =	sst s2  }
0x8f: {  	_ = 	snop  }
0x90: {  	s2 =	sld [smem:$0x3FD0];
	(tm) =	ssettm $0x1  }
0x91: {  	s18 =	sld [smem:$0x3FFB];
	_ =	sdelay $0x3  }
0x92: {  	_ =	strace s18  }
0x93: {  	s3 =	sld [smem:$0x3FFC];
	_ =	sdelay $0x3  }
0x94: {  	_ =	strace s3  }
0x95: {  	s3 =	sld [smem:$0x3FFD];
	_ =	sdelay $0x3  }
0x96: {  	_ =	strace s3  }
0x97: {  	_ =	strace $0x8FFFFFFF  }
0x98: {  	s19 =	sld [smem:$0x3FDB];
	_ =	sdelay $0x1  }
0x99: {  	s4 =	simm.s32 $_scs_section_size  }
0x9a: {  	s5 =	simm.s32 $_size__tile_overlayer_lowered;
	s6 =	simm.s32 $_tile_overlayer_lowered  }
0x9b: {  	s22 =	simm.s32 $0x1BFF;
	s21 =	sshll.u32 s6, $0x1;
	s3 =	sadd.s32 s4, s19  }
0x9c: {  	s7 =	simm.s32 $0x0;
	s20 =	sshll.u32 s5, $0x1;
	s5 =	sadd.s32 s21, s3  }
0x9d: {  	[timem:s7], [sflag:s22] =	dma.local [hbm:s5], s20  }
0x9e: {  	_ =	swait.ge [sflag:s22], s20  }
0x9f: {  	s4 =	ssub.s32 $0x0, s20;
	[sflag:s22] =	ssyncset.done $0x0  }
0xa0: {  	[sflag:s22] =	ssyncadd.s32 s4;
	_ =	sdelay $0x1  }
0xa1: {  	s23 =	simm.s32 $0x1B8B  }
0xa2: {  	_ =	swait.ge [sflag:s23], $0x1  }
0xa3: {  	[sflag:s23] =	ssyncset.done $0x0  }
0xa4: {  	s25 =	simm.s32 $0x1B8E;
	s24 =	sld [smem:$0x3FFE];
	[sflag:s23] =	ssyncadd.s32 $0xFFFFFFFF  }
0xa5: {  	s26 =	simm.s32 $execute0_lowered;
	[smem:$0x3FD2] =	sst s25  }
0xa6: {  	s5 =	sshll.u32 s26, $0x1;
	_ =	strace $0x80000046;
	[dreg:$0x1] =	wrdreg $0xFFFFFFFF  }
0xa7: {  	s28 =	simm.s32 $_size_execute0_lowered;
	s3 =	sadd.s32 s3, s5;
	[dreg:$0x0] =	wrdreg $0x0  }
0xa8: {  	s5 =	sshll.u32 s28, $0x1;
	[dreg:$0x2] =	wrdreg s3  }
0xa9: {  	[dreg:$0x3] =	wrdreg s5  }
0xaa: {  	[dreg:$0x4] =	wrdreg $0xC0  }
0xab: {  	_ =	task [dreg:s7], $0x5FFFF  }
0xac: {  	[dreg:$0x1] =	wrdreg $0xFFFFFFFF  }
0xad: {  	[dreg:$0x0] =	wrdreg $0x60  }
0xae: {  	[dreg:$0x2] =	wrdreg s24  }
0xaf: {  	[dreg:$0x3] =	wrdreg s2  }
0xb0: {  	[dreg:$0x4] =	wrdreg $0xA8000  }
0xb1: {  	[dreg:$0x5] =	wrdreg $0x9  }
0xb2: {  	_ =	task.clear_ibuf [dreg:s7], $0x6FFFF;
	_ =	strace $0x90000046  }
0xb3: {  	s29 =	simm.s32 $0x9;
	_ =	strace $0x80000048  }
0xb4: {  	_ =	swait.ge [sflag:s29], $0x1  }
0xb5: {  	[sflag:s29] =	ssyncadd.s32 $0xFFFFFFFF  }
0xb6: {  	_ =	strace $0x90000048  }
0xb7: {  	_ =	sfence  }
0xb8: {  	s30 =	sld [smem:$0x0];
	_ =	sdelay $0x2  }
0xb9: {  	s31 =	sshll.u32 s1, $0xD;
	s1 =	sshrl.u32 s1, $0x2  }
0xba: {  	s3 =	sand.u32 $0x4000, s31;
	s1 =	sadd.s32 s1, s30  }
0xbb: {  	s0 =	sor.u32 s3, s0;
	s1 =	sshll.u32 s1, $0x11  }
0xbc: {  	s0 =	sor.u32 s1, s0  }
0xbd: {  	s0 =	sadd.s32 $0x8F2B, s0  }
0xbe: {  	[sflag:s0] =	ssyncadd.remote.s32 $0x1  }
0xbf: {  	_ =	sfence.sel $0xFFFF  }
0xc0: {  	[dreg:$0x0] =	wrdreg $0xFFFFFFFF;
	(pc) =	sbr.abs _section_cstart, $3  }
0xc1: {  	[dreg:$0x1] =	wrdreg $0xFFFFFFFF  }
0xc2: {  	_ =	task.clear_ibuf [dreg:s7], $0x2FFFF;
	_ =	strace $0x9FFFFFFF  }
0xc3: {  	(tm) =	ssettm $0x7FFFFFFF  }
tec
execute0_lowered:
.L_overlay_start_1:
0x0: {  	(tag) =	ssettag $0x1  }
0x1: {  	s7 =	rddreg [dreg:$0x0]  }
0x2: {  	s2 =	rddreg [dreg:$0x1]  }
0x3: {  	s0 =	srdreg.scid;
	s3 =	rddreg [dreg:$0x2];
	s4 =	simm.s32 $0x0  }
0x4: {  	s14 =	simm.s32 $0x4000;
	s15 =	simm.s32 $0x1;
	s6 =	sand.u32 $0x1, s0  }
0x5: {  	s16 =	simm.s32 $0x8000;
	s0 =	stileid.u32;
	s8 =	smul.u32 $0x140000, s6  }
0x6: {  	s17 =	simm.s32 $0x80;
	s20 =	simm.s32 $0x0;
	s9 =	smul.u32 $0x14000, s0  }
0x7: {  	[smem:$0x7FF] =	sst s4;
	s1 =	sshll.u32 s6, $0x4;
	s10 =	smul.u32 $0x50000, s0  }
0x8: {  	s6 =	ssub.s32 $0x2, s6;
	s18 =	sshll.u32 s0, $0x6;
	s1 =	sor.u32 s0, s1  }
0x9: {  	s31 =	sshrl.u32 s6, $0x1;
	s18 =	sor.u32 $0x1C01, s18;
	s5 =	smul.u32 $0x500, s1  }
0xa: {  	s1 =	rddreg [dreg:$0x3];
	_ =	strace $0x80000047;
	s8 =	sadd.s32 s9, s8  }
0xb: {  	s10 =	sshrl.u32 s10, $0x2;
	s13 =	ssub.s32 s6, s31;
	s8 =	sshrl.u32 s8, $0x3  }
0xc: {  	s6 =	sadd.s32 s10, s3;
	s13 =	smax.u32 s13, $0x1;
	s11 =	sadd.s32 s5, s7  }
0xd: {  	s5 =	sadd.s32 $0x15A00, s7;
	s12 =	sadd.s32 s8, s7;
	s7 =	sadd.s32 $0x4000, s6  }
0xe: {  	s8 =	sadd.s32 $0x8000, s6;
	s9 =	sadd.s32 $0xC000, s6;
	s10 =	sadd.s32 $0x10000, s6  }
0xf: {  	s19 =	sshrl.u32 s6, $0x3;
	s11 =	sadd.s32 $0xBA00, s11;
	s12 =	sadd.s32 $0x16200, s12  }
.LBB2_1:
0x10: {  	[tilespmem:s14], [sflag:$0x1] =	stream.linear.gather [hbm4b:s5+s4], $0x4000, $0x38;
	[tilespmem:$0xBC00] =	vst v63  }
0x11: {  	_ =	swait.ge [sflag:s15], $0x4000  }
0x12: {  	[sflag:s15] =	ssyncset.done $0x0  }
0x13: {  	[sflag:s15] =	ssyncadd.s32 $0xFFFFC000  }
0x14: {  	[spmem:s6] =	stream.linear.scatter [tilespmem:s14], [sflag:$0x1], $0x4000, $0x38;
	[tilespmem:$0xBC00] =	vst v63  }
0x15: {  	_ =	swait.ge [sflag:s15], $0x4000  }
0x16: {  	[sflag:s15] =	ssyncset.done $0x0  }
0x17: {  	[sflag:s15] =	ssyncadd.s32 $0xFFFFC000  }
0x18: {  	[spmem:s7] =	stream.linear.scatter [tilespmem:s14], [sflag:$0x1], $0x4000, $0x38;
	[tilespmem:$0xBC00] =	vst v63  }
0x19: {  	_ =	swait.ge [sflag:s15], $0x4000  }
0x1a: {  	[sflag:s15] =	ssyncset.done $0x0  }
0x1b: {  	[sflag:s15] =	ssyncadd.s32 $0xFFFFC000  }
0x1c: {  	[spmem:s8] =	stream.linear.scatter [tilespmem:s14], [sflag:$0x1], $0x4000, $0x38;
	[tilespmem:$0xBC00] =	vst v63  }
0x1d: {  	_ =	swait.ge [sflag:s15], $0x4000  }
0x1e: {  	[sflag:s15] =	ssyncset.done $0x0  }
0x1f: {  	[sflag:s15] =	ssyncadd.s32 $0xFFFFC000  }
0x20: {  	[spmem:s9] =	stream.linear.scatter [tilespmem:s14], [sflag:$0x1], $0x4000, $0x38;
	[tilespmem:$0xBC00] =	vst v63  }
0x21: {  	_ =	swait.ge [sflag:s15], $0x4000  }
0x22: {  	[sflag:s15] =	ssyncset.done $0x0  }
0x23: {  	[sflag:s15] =	ssyncadd.s32 $0xFFFFC000  }
0x24: {  	[spmem:s10] =	stream.linear.scatter [tilespmem:s14], [sflag:$0x1], $0x4000, $0x38;
	[tilespmem:$0xBC00] =	vst v63  }
0x25: {  	_ =	swait.ge [sflag:s15], $0x4000  }
0x26: {  	[sflag:s15] =	ssyncset.done $0x0  }
0x27: {  	[sflag:s15] =	ssyncadd.s32 $0xFFFFC000  }
0x28: {  	[tilespmem:s16], [sflag:$0x1] =	stream.linear.gather [hbm4b:s11+s4], $0x2780, $0x38;
	[tilespmem:$0xBC00] =	vst v63  }
0x29: {  	_ =	swait.ge [sflag:s15], $0x2780  }
0x2a: {  	[sflag:s15] =	ssyncset.done $0x0  }
0x2b: {  	[sflag:s15] =	ssyncadd.s32 $0xFFFFD880  }
0x2c: {  	[tilespmem:s4], [sflag:$0x1] =	stream.linear.gather [hbm4b:s2+s4], $0x4000, $0x38;
	[tilespmem:$0xBC00] =	vst v63  }
0x2d: {  	_ =	swait.ge [sflag:s15], $0x4000  }
0x2e: {  	[sflag:s15] =	ssyncset.done $0x0  }
0x2f: {  	[sflag:s15] =	ssyncadd.s32 $0xFFFFC000  }
0x30: {  	s21 =	simm.s32 $0x8000;
	[bflag:$0x0] =	sbarrier.arrive $0xFFFF  }
0x31: {  	[spmem:s3] =	stream.indirect.scatter.add.f32 [tilespmem:s4], [sflag:$0x1], $0x8, s21, s17, $0xb8;
	[tilespmem:$0xBC00] =	vst v63  }
0x32: {  	s21 =	simm.s32 $0x200;
	_ =	swait.ge [sflag:s15], $0x400  }
.LBB2_2:
0x33: {  	s22 =	sshra.s32 s21, $0x2;
	[sflag:s15] =	ssyncset.done $0x0;
	p0 =	sne.s32 s21, $0x9C00  }
.Ltmp0:
0x34: {  	s22 =	sadd.s32 $0x8000, s22;
	[sflag:s15] =	ssyncadd.s32 $0xFFFFFC00;
	(pc) =	sbr.rel @p0 .LBB2_2-.Ltmp0, $3  }
0x35: {  	[spmem:s3] =	stream.indirect.scatter.add.f32 [tilespmem:s4], [sflag:$0x1], $0x8, s22, s17, $0xb8;
	[tilespmem:$0xBC00] =	vst v63  }
0x36: {  	s21 =	sadd.s32 $0x200, s21;
	_ =	sdelay $0x1  }
0x37: {  	_ =	swait.ge [sflag:s15], $0x400  }
0x38: {  	[sflag:s15] =	ssyncset.done $0x0;
	s20 =	sadd.s32 $0x1, s20  }
0x39: {  	[sflag:s15] =	ssyncadd.s32 $0xFFFFFC00;
	p0 =	sne.s32 s20, s13  }
.Ltmp1:
0x3a: {  	[bflag:$0x0] =	sbarrier.arrive $0xFFFF;
	(pc) =	sbr.rel @p0 .LBB2_1-.Ltmp1, $4  }
0x3b: {  	[hbm:s12], [sflag:s18] =	dma.local [spmem:s19], $0x2800  }
0x3c: {  	_ =	swait.ge [sflag:s15], $0x2800  }
0x3d: {  	[sflag:s15] =	ssyncset.done $0x0  }
0x3e: {  	[sflag:s15] =	ssyncadd.s32 $0xFFFFD800  }
0x3f: {  	_ =	sfence.sel $0x180000  }
0x40: {  	[bflag:$0x0] =	sbarrier.arrive $0xFFFF  }
0x41: {  	p0 =	sne.s32 s0, $0x0;
	_ =	strace $0x90000047  }
0x42: {  	s0 =	sadd.s32 @!p0 $0x100000, s1;
	[bflag:$0x2] =	sbarrier.arrive $0xFFFF  }
0x43: {  	[sflag:s0] =	ssyncadd.tile.s32 @!p0 $0x1;
	_ =	shalt  }
.Lfunc_end2:
_tile_overlayer_lowered:
.L_overlay_start_2:
0x44: {  	(tag) =	ssettag $0x2  }
0x45: {  	s0 =	rddreg [dreg:$0x0];
	s2 =	stileid.u32  }
0x46: {  	s1 =	rddreg [dreg:$0x1];
	p0 =	sne.s32 s2, $0x0  }
0x47: {  	s3 =	rddreg [dreg:$0x2];
	[bflag:$0x3] =	sbarrier.arrive $0xFFFF;
	s2 =	simm.s32 @!p0 $0x1C01  }
0x48: {  	[timem:s3], [sflag:s2] =	dma.local @!p0 [hbm:s0], s1  }
0x49: {  	s0 =	simm.s32 @!p0 $0x1  }
0x4a: {  	_ =	swait.ge @!p0 [sflag:s0], s1  }
0x4b: {  	s1 =	ssub.s32 @!p0 $0x0, s1;
	[sflag:s0] =	ssyncset.done @!p0 $0x0  }
0x4c: {  	[sflag:s0] =	ssyncadd.s32 @!p0 s1  }
0x4d: {  	[bflag:$0x3] =	sbarrier.arrive $0xFFFF  }
0x4e: {  	_ =	shalt  }

</sc_bundles>
